<compile_context>
chip_gen: v7x
topology: tpu7x:2x2x1
jax: 0.10.2.dev20260603
libtpu: 0.0.44.dev20260713+nightly
codegen_flags: <defaults>
</compile_context>

<pallas_src>
import functools

import jax
import jax.numpy as jnp
import numpy as np
from jax import lax
from jax.experimental import pallas as pl
from jax.experimental.pallas import tpu as pltpu
from jax.experimental.pallas import tpu_sc as plsc

BEV_X_RANGE = (-40.0, 40.0)
BEV_Y_RANGE = (0.0, 80.0)
BETA = 1.0
NPX = 10

NC, NS, L = 2, 16, 16
NW = NC * NS


def _make_kernel(B, D, H, W):
    ndet = B * D
    dets_per_w = ndet // NW
    pts_per_det = NPX * NPX
    pts_per_w = dets_per_w * pts_per_det
    nvreg = pts_per_w // L
    nrows = dets_per_w * NPX
    npts = ndet * pts_per_det
    half_rows = nrows // 2
    half_vreg = nvreg // 2

    mesh = plsc.VectorSubcoreMesh(core_axis_name="c", subcore_axis_name="s")

    PIDX = 0
    XL = PIDX + 64
    RK4 = XL + 16
    RT = RK4 + nrows
    KK = RT + nrows
    ROW = KK + pts_per_w
    TJ = ROW + pts_per_w
    LUT_LEN = TJ + pts_per_w

    XA = nrows

    @functools.partial(
        pl.kernel,
        out_type=(
            jax.ShapeDtypeStruct((5 * npts,), jnp.float32),
            jax.ShapeDtypeStruct((npts,), jnp.float32),
        ),
        mesh=mesh,
        compiler_params=pltpu.CompilerParams(needs_layout_passes=False),
        scratch_types=[
            pltpu.VMEM((dets_per_w * 4 + 16,), jnp.float32),
            pltpu.VMEM((LUT_LEN,), jnp.int32),
            pltpu.VMEM((nrows,), jnp.int32),
            pltpu.VMEM((nrows + 32,), jnp.float32),
            pltpu.VMEM((2 * nrows, W), jnp.float32),
            pltpu.VMEM((6 * pts_per_w,), jnp.float32),
            pltpu.SemaphoreType.DMA,
            pltpu.SemaphoreType.DMA,
        ],
    )
    def k(bbi_hbm, depth_hbm, lv_hbm, lut_hbm,
          pts_hbm, conf_hbm,
          bb_v, lut_v, rowidx_v, fprec_v, drl_v, po_v,
          semA, semB):
        wid = lax.axis_index("s") * NC + lax.axis_index("c")
        det0 = wid * dets_per_w
        b = wid // (NW // B)

        in1 = pltpu.async_copy(bbi_hbm.at[pl.ds(det0 * 4, dets_per_w * 4)],
                               bb_v.at[pl.ds(0, dets_per_w * 4)], semA)
        in2 = pltpu.async_copy(bbi_hbm.at[pl.ds(ndet * 4, 16)],
                               bb_v.at[pl.ds(dets_per_w * 4, 16)], semA)
        in3 = pltpu.async_copy(lut_hbm, lut_v, semA)
        in1.wait()
        in2.wait()
        in3.wait()

        wmax = jnp.float32(W - 1)
        hmax = jnp.float32(H - 1)

        for n in range(nrows // L):
            rk4 = lut_v[pl.ds(RK4 + n * L, L)]
            rt = plsc.bitcast(lut_v[pl.ds(RT + n * L, L)], jnp.float32)
            y1 = plsc.load_gather(bb_v, [rk4 + 1])
            y2 = plsc.load_gather(bb_v, [rk4 + 3])
            y1c = jnp.clip(y1, 0.0, hmax)
            y2c = jnp.clip(y2, 0.0, hmax)
            v = y1c + rt * (y2c - y1c)
            vi = jnp.clip(v.astype(jnp.int32), 0, H - 1)
            fprec_v[pl.ds(n * L, L)] = v
            rowidx_v[pl.ds(n * L, L)] = b * H + vi

        cpA1 = pltpu.async_copy(depth_hbm.at[rowidx_v.at[pl.ds(0, half_rows)]],
                                drl_v.at[pl.ds(0, half_rows)], semA)
        cpA2 = pltpu.async_copy(lv_hbm.at[rowidx_v.at[pl.ds(0, half_rows)]],
                                drl_v.at[pl.ds(nrows, half_rows)], semA)
        cpB1 = pltpu.async_copy(
            depth_hbm.at[rowidx_v.at[pl.ds(half_rows, half_rows)]],
            drl_v.at[pl.ds(half_rows, half_rows)], semB)
        cpB2 = pltpu.async_copy(
            lv_hbm.at[rowidx_v.at[pl.ds(half_rows, half_rows)]],
            drl_v.at[pl.ds(nrows + half_rows, half_rows)], semB)

        xl = lut_v[pl.ds(XL, L)]
        x1 = plsc.load_gather(bb_v, [xl])
        x2 = plsc.load_gather(bb_v, [xl + 2])
        x1c = jnp.clip(x1, 0.0, wmax)
        x2c = jnp.clip(x2, 0.0, wmax)
        fprec_v[pl.ds(XA, L)] = x1c
        fprec_v[pl.ds(XA + L, L)] = x2c - x1c

        fxv = plsc.load_gather(bb_v, [lut_v[pl.ds(PIDX + 0 * L, L)]])
        fyv = plsc.load_gather(bb_v, [lut_v[pl.ds(PIDX + 1 * L, L)]])
        cxv = plsc.load_gather(bb_v, [lut_v[pl.ds(PIDX + 2 * L, L)]])
        cyv = plsc.load_gather(bb_v, [lut_v[pl.ds(PIDX + 3 * L, L)]])
        rfxv = jnp.float32(1.0) / fxv
        rfyv = jnp.float32(1.0) / fyv

        def point_vreg(n):
            base = n * L
            kk = lut_v[pl.ds(KK + base, L)]
            row = lut_v[pl.ds(ROW + base, L)]
            tj = plsc.bitcast(lut_v[pl.ds(TJ + base, L)], jnp.float32)
            xa = plsc.load_gather(fprec_v, [kk])
            xd = plsc.load_gather(fprec_v, [kk + L])
            u = xa + tj * xd
            v = plsc.load_gather(fprec_v, [row])
            ui = jnp.clip(u.astype(jnp.int32), 0, W - 1)
            dep = plsc.load_gather(drl_v, [row, ui])
            lv = plsc.load_gather(drl_v, [row + nrows, ui])
            conf = jnp.clip(jnp.exp(-BETA * lv), 0.0, 1.0)
            x_cam = (u - cxv) * dep * rfxv
            y_cam = (v - cyv) * dep * rfyv
            x_r = dep
            y_r = -x_cam
            z_r = -y_cam
            mask = ((dep > 0.5)
                    & (x_r > BEV_Y_RANGE[0]) & (x_r < BEV_Y_RANGE[1])
                    & (y_r > BEV_X_RANGE[0]) & (y_r < BEV_X_RANGE[1]))
            mf = jnp.where(mask, jnp.float32(1.0), jnp.float32(0.0))
            po_v[pl.ds(base, L)] = x_r * mf
            po_v[pl.ds(pts_per_w + base, L)] = y_r * mf
            po_v[pl.ds(2 * pts_per_w + base, L)] = z_r * mf
            po_v[pl.ds(3 * pts_per_w + base, L)] = jnp.zeros((L,), jnp.float32)
            po_v[pl.ds(4 * pts_per_w + base, L)] = jnp.float32(10.0) * mf
            po_v[pl.ds(5 * pts_per_w + base, L)] = conf * mf

        def body(n, carry):
            point_vreg(n)
            return carry

        cpA1.wait()
        cpA2.wait()
        lax.fori_loop(0, half_vreg, body, 0)
        cpB1.wait()
        cpB2.wait()
        lax.fori_loop(half_vreg, nvreg, body, 0)

        base_out = wid * pts_per_w
        outs = []
        for c in range(5):
            outs.append(pltpu.async_copy(
                po_v.at[pl.ds(c * pts_per_w, pts_per_w)],
                pts_hbm.at[pl.ds(c * npts + base_out, pts_per_w)], semB))
        outs.append(pltpu.async_copy(
            po_v.at[pl.ds(5 * pts_per_w, pts_per_w)],
            conf_hbm.at[pl.ds(base_out, pts_per_w)], semB))
        for cp in outs:
            cp.wait()

    return k


def kernel(images, depth_map, log_var_map, bboxes, intrinsic):
    del images
    B, _, H, W = depth_map.shape
    D = bboxes.shape[1]
    ndet = B * D
    pts_per_w = (ndet // NW) * NPX * NPX
    nrows = (ndet // NW) * NPX
    ndets_w = nrows // NPX

    depth_rows = depth_map.reshape(B * H, W)
    lv_rows = log_var_map.reshape(B * H, W)
    bbi = jnp.concatenate([
        bboxes.reshape(ndet * 4),
        intrinsic.reshape(9),
        jnp.zeros((7,), jnp.float32),
    ])

    t = np.linspace(0.0, 1.0, NPX).astype(np.float32)
    lr = np.arange(nrows)
    lp = np.arange(pts_per_w)
    xlane = np.minimum(np.arange(16), ndets_w - 1) * 4
    ioff = ndet // NW * 4
    lut = np.concatenate([
        (np.repeat(np.array([0, 4, 2, 5]), 16) + ioff).astype(np.int32),
        xlane.astype(np.int32),
        ((lr // NPX) * 4).astype(np.int32),
        t[lr % NPX].view(np.int32),
        ((lp // (NPX * NPX)) + nrows).astype(np.int32),
        ((lp // (NPX * NPX)) * NPX + (lp // NPX) % NPX).astype(np.int32),
        t[lp % NPX].view(np.int32),
    ])
    lut = jnp.asarray(lut)

    k = _make_kernel(B, D, H, W)
    pts5, conf = k(bbi, depth_rows, lv_rows, lut)
    return pts5.reshape(5, ndet * NPX * NPX).T, conf

# --- scband reference (transcript-rebuilt; emitter-appended) ---
"""Pipeline reference for scband-pseudo-lidar-branch-72189810311458 (READ-ONLY COPY).

The authoritative reference and input builder live on the scoring server;
editing this copy changes nothing except your own understanding.
"""

import jax, jax.numpy as jnp
import numpy as np

BEV_X_RANGE = (-40.0, 40.0)
BEV_Y_RANGE = (0.0, 80.0)
BETA = 1.0
NPX = 10


def setup_inputs(seed: int = 0) -> dict:
    key = jax.random.key(seed)
    k1, k2, k3, k4, k5, k6 = jax.random.split(key, 6)
    B, D, H, W = 8, 32, 512, 512
    images = jax.random.uniform(k1, (B, 3, H, W), dtype=jnp.float32)
    depth_map = jax.random.uniform(k2, (B, 1, H, W), dtype=jnp.float32) * 80.0
    log_var_map = jax.random.normal(k3, (B, 1, H, W), dtype=jnp.float32) * 0.5
    x1 = jax.random.uniform(k4, (B, D, 1), dtype=jnp.float32) * (W - 140)
    y1 = jax.random.uniform(k5, (B, D, 1), dtype=jnp.float32) * (H - 140)
    wh = jax.random.uniform(k6, (B, D, 2), dtype=jnp.float32) * 112.0 + 16.0
    bboxes = jnp.concatenate([x1, y1, x1 + wh[..., 0:1], y1 + wh[..., 1:2]], axis=-1)
    intrinsic = jnp.array([[1000.0, 0.0, 256.0], [0.0, 1000.0, 256.0], [0.0, 0.0, 1.0]], dtype=jnp.float32)
    return {"images": images, "depth_map": depth_map, "log_var_map": log_var_map, "bboxes": bboxes, "intrinsic": intrinsic}


def _pseudo_lidar(depth_map, log_var_map, bboxes, intrinsic):
    fx = intrinsic[0, 0]
    fy = intrinsic[1, 1]
    cx = intrinsic[0, 2]
    cy = intrinsic[1, 2]
    B, _, H, W = depth_map.shape

    def per_det(depth, logvar, bbox):
        x1 = jnp.clip(bbox[0], 0.0, W - 1.0)
        y1 = jnp.clip(bbox[1], 0.0, H - 1.0)
        x2 = jnp.clip(bbox[2], 0.0, W - 1.0)
        y2 = jnp.clip(bbox[3], 0.0, H - 1.0)
        t = jnp.linspace(0.0, 1.0, NPX)
        u = x1 + t * (x2 - x1)
        v = y1 + t * (y2 - y1)
        uu, vv = jnp.meshgrid(u, v, indexing='xy')
        uu = uu.reshape(-1)
        vv = vv.reshape(-1)
        ui = jnp.clip(uu.astype(jnp.int32), 0, W - 1)
        vi = jnp.clip(vv.astype(jnp.int32), 0, H - 1)
        depths = depth[vi, ui]
        log_vars = logvar[vi, ui]
        conf = jnp.clip(jnp.exp(-BETA * log_vars), 0.0, 1.0)
        X_cam = (uu - cx) * depths / fx
        Y_cam = (vv - cy) * depths / fy
        Z_cam = depths
        x_r = Z_cam
        y_r = -X_cam
        z_r = -Y_cam
        doppler = jnp.zeros_like(x_r)
        snr = jnp.ones_like(x_r) * 10.0
        pts = jnp.stack([x_r, y_r, z_r, doppler, snr], axis=1)
        mask = (depths > 0.5) & (x_r > BEV_Y_RANGE[0]) & (x_r < BEV_Y_RANGE[1]) & (y_r > BEV_X_RANGE[0]) & (y_r < BEV_X_RANGE[1])
        pts = pts * mask[:, None].astype(pts.dtype)
        conf = conf * mask.astype(conf.dtype)
        return pts, conf

    per_img = jax.vmap(per_det, in_axes=(None, None, 0))
    per_batch = jax.vmap(per_img, in_axes=(0, 0, 0))
    pts, conf = per_batch(depth_map[:, 0], log_var_map[:, 0], bboxes)
    return pts.reshape(-1, 5), conf.reshape(-1)


def reference(images, depth_map, log_var_map, bboxes, intrinsic):
    # images feed the (frozen, non-differentiable) YOLO detector which produces bboxes;
    # here detections are supplied directly so images are not consumed numerically.
    points, weights = _pseudo_lidar(depth_map, log_var_map, bboxes, intrinsic)
    return points, weights

if __name__ == "__main__":
    import jax
    _d = setup_inputs()
    print(jax.jit(kernel)(*tuple(_d.values())))

</pallas_src>

<mosaic_0001>
#map = affine_map<(d0, d1) -> (0)>
#map1 = affine_map<(d0, d1) -> (0, 0)>
module attributes {stable_mosaic.version = 14 : i64} {
  func.func @k(%arg0: i32, %arg1: i32, %arg2: memref<1040xf32, #tpu.memory_space<hbm>>, %arg3: memref<4096x512xf32, #tpu.memory_space<hbm>>, %arg4: memref<4096x512xf32, #tpu.memory_space<hbm>>, %arg5: memref<2640xi32, #tpu.memory_space<hbm>>, %arg6: memref<128000xf32, #tpu.memory_space<hbm>>, %arg7: memref<25600xf32, #tpu.memory_space<hbm>>, %arg8: memref<48xf32, #tpu.memory_space<vmem>>, %arg9: memref<2640xi32, #tpu.memory_space<vmem>>, %arg10: memref<80xi32, #tpu.memory_space<vmem>>, %arg11: memref<112xf32, #tpu.memory_space<vmem>>, %arg12: memref<160x512xf32, #tpu.memory_space<vmem>>, %arg13: memref<4800xf32, #tpu.memory_space<vmem>>, %arg14: memref<!tpu.dma_semaphore, #tpu.memory_space<semaphore_mem>>, %arg15: memref<!tpu.dma_semaphore, #tpu.memory_space<semaphore_mem>>) attributes {dimension_semantics = [#tpu.dimension_semantics<core_parallel>, #tpu.dimension_semantics<subcore_parallel>], iteration_bounds = array<i64: 2, 16>, scalar_prefetch = 0 : i64, scratch_operands = 8 : i64, tpu.core_type = #tpu.core_type<sc_vector_subcore>, window_params = [{transform_indices = #map}, {transform_indices = #map1}, {transform_indices = #map1}, {transform_indices = #map}, {transform_indices = #map}, {transform_indices = #map}]} {
    %mul3A = arith.constant 2 : i32
    %mul3A_0 = arith.muli %arg1, %mul3A : i32
    %add3A = arith.addi %mul3A_0, %arg0 : i32
    %mul3A_1 = arith.constant 8 : i32
    %mul3A_2 = arith.muli %add3A, %mul3A_1 : i32
    %jit3A = arith.constant 4 : i32
    %div3A = arith.divsi %add3A, %jit3A : i32
    %sign3A = arith.constant 0 : i32
    %sign3A_3 = arith.cmpi sgt, %add3A, %sign3A : i32
    %sign3A_4 = arith.extui %sign3A_3 : i1 to i32
    %sign3A_5 = arith.constant 0 : i32
    %sign3A_6 = arith.cmpi slt, %add3A, %sign3A_5 : i32
    %sign3A_7 = arith.extui %sign3A_6 : i1 to i32
    %sign3A_8 = arith.subi %sign3A_4, %sign3A_7 : i32
    %sign3A_9 = arith.constant 0 : i32
    %sign3A_10 = arith.cmpi sgt, %jit3A, %sign3A_9 : i32
    %sign3A_11 = arith.extui %sign3A_10 : i1 to i32
    %sign3A_12 = arith.constant 0 : i32
    %sign3A_13 = arith.cmpi slt, %jit3A, %sign3A_12 : i32
    %sign3A_14 = arith.extui %sign3A_13 : i1 to i32
    %sign3A_15 = arith.subi %sign3A_11, %sign3A_14 : i32
    %ne3A = arith.cmpi ne, %sign3A_8, %sign3A_15 : i32
    %rem3A = arith.remsi %add3A, %jit3A : i32
    %ne3A_16 = arith.constant 0 : i32
    %ne3A_17 = arith.cmpi ne, %rem3A, %ne3A_16 : i32
    %and3A = arith.andi %ne3A, %ne3A_17 : i1
    %sub3A = arith.constant 1 : i32
    %sub3A_18 = arith.subi %div3A, %sub3A : i32
    %select_n3A = arith.select %and3A, %sub3A_18, %div3A : i32
    %mul3A_19 = arith.constant 4 : i32
    %mul3A_20 = arith.muli %mul3A_2, %mul3A_19 : i32
    %dma_start3A = arith.constant 0 : i32
    %dma_start3A_21 = tpu.memref_slice %arg8[%dma_start3A] : memref<48xf32, #tpu.memory_space<vmem>> -> memref<32xf32, #tpu.memory_space<vmem>>
    %dma_start3A_22 = tpu.memref_slice %arg2[%mul3A_20] : memref<1040xf32, #tpu.memory_space<hbm>> -> memref<32xf32, #tpu.memory_space<hbm>>
    %dma_start3A_23 = arith.constant 0 : i32
    %dma_start3A_24 = tpu.memref_slice %arg8[%dma_start3A_23] : memref<48xf32, #tpu.memory_space<vmem>> -> memref<32xf32, #tpu.memory_space<vmem>>
    %dma_start3A_25 = tpu.memref_slice %arg2[%mul3A_20] : memref<1040xf32, #tpu.memory_space<hbm>> -> memref<32xf32, #tpu.memory_space<hbm>>
    tpu.enqueue_dma source(%dma_start3A_25 : memref<32xf32, #tpu.memory_space<hbm>>) target(%dma_start3A_24 : memref<32xf32, #tpu.memory_space<vmem>>) target_semaphore(%arg14 : memref<!tpu.dma_semaphore, #tpu.memory_space<semaphore_mem>>)
    %dma_start3A_26 = arith.constant 32 : i32
    %dma_start3A_27 = tpu.memref_slice %arg8[%dma_start3A_26] : memref<48xf32, #tpu.memory_space<vmem>> -> memref<16xf32, #tpu.memory_space<vmem>>
    %dma_start3A_28 = arith.constant 1024 : i32
    %dma_start3A_29 = tpu.memref_slice %arg2[%dma_start3A_28] : memref<1040xf32, #tpu.memory_space<hbm>> -> memref<16xf32, #tpu.memory_space<hbm>>
    %dma_start3A_30 = arith.constant 32 : i32
    %dma_start3A_31 = tpu.memref_slice %arg8[%dma_start3A_30] : memref<48xf32, #tpu.memory_space<vmem>> -> memref<16xf32, #tpu.memory_space<vmem>>
    %dma_start3A_32 = arith.constant 1024 : i32
    %dma_start3A_33 = tpu.memref_slice %arg2[%dma_start3A_32] : memref<1040xf32, #tpu.memory_space<hbm>> -> memref<16xf32, #tpu.memory_space<hbm>>
    tpu.enqueue_dma source(%dma_start3A_33 : memref<16xf32, #tpu.memory_space<hbm>>) target(%dma_start3A_31 : memref<16xf32, #tpu.memory_space<vmem>>) target_semaphore(%arg14 : memref<!tpu.dma_semaphore, #tpu.memory_space<semaphore_mem>>)
    tpu.enqueue_dma source(%arg5 : memref<2640xi32, #tpu.memory_space<hbm>>) target(%arg9 : memref<2640xi32, #tpu.memory_space<vmem>>) target_semaphore(%arg14 : memref<!tpu.dma_semaphore, #tpu.memory_space<semaphore_mem>>)
    %dma_wait3A = arith.constant 0 : i32
    %dma_wait3A_34 = tpu.memref_slice %arg8[%dma_wait3A] : memref<48xf32, #tpu.memory_space<vmem>> -> memref<32xf32, #tpu.memory_space<vmem>>
    %dma_wait3A_35 = tpu.memref_slice %arg2[%mul3A_20] : memref<1040xf32, #tpu.memory_space<hbm>> -> memref<32xf32, #tpu.memory_space<hbm>>
    %dma_wait3A_36 = arith.constant 0 : i32
    %dma_wait3A_37 = tpu.memref_slice %arg8[%dma_wait3A_36] : memref<48xf32, #tpu.memory_space<vmem>> -> memref<32xf32, #tpu.memory_space<vmem>>
    %dma_wait3A_38 = tpu.memref_slice %arg2[%mul3A_20] : memref<1040xf32, #tpu.memory_space<hbm>> -> memref<32xf32, #tpu.memory_space<hbm>>
    tpu.wait_dma2 semaphore(%arg14 : memref<!tpu.dma_semaphore, #tpu.memory_space<semaphore_mem>>) src(%dma_wait3A_38 : memref<32xf32, #tpu.memory_space<hbm>>) dst(%dma_wait3A_37 : memref<32xf32, #tpu.memory_space<vmem>>)
    %dma_wait3A_39 = arith.constant 32 : i32
    %dma_wait3A_40 = tpu.memref_slice %arg8[%dma_wait3A_39] : memref<48xf32, #tpu.memory_space<vmem>> -> memref<16xf32, #tpu.memory_space<vmem>>
    %dma_wait3A_41 = arith.constant 1024 : i32
    %dma_wait3A_42 = tpu.memref_slice %arg2[%dma_wait3A_41] : memref<1040xf32, #tpu.memory_space<hbm>> -> memref<16xf32, #tpu.memory_space<hbm>>
    %dma_wait3A_43 = arith.constant 32 : i32
    %dma_wait3A_44 = tpu.memref_slice %arg8[%dma_wait3A_43] : memref<48xf32, #tpu.memory_space<vmem>> -> memref<16xf32, #tpu.memory_space<vmem>>
    %dma_wait3A_45 = arith.constant 1024 : i32
    %dma_wait3A_46 = tpu.memref_slice %arg2[%dma_wait3A_45] : memref<1040xf32, #tpu.memory_space<hbm>> -> memref<16xf32, #tpu.memory_space<hbm>>
    tpu.wait_dma2 semaphore(%arg14 : memref<!tpu.dma_semaphore, #tpu.memory_space<semaphore_mem>>) src(%dma_wait3A_46 : memref<16xf32, #tpu.memory_space<hbm>>) dst(%dma_wait3A_44 : memref<16xf32, #tpu.memory_space<vmem>>)
    tpu.wait_dma2 semaphore(%arg14 : memref<!tpu.dma_semaphore, #tpu.memory_space<semaphore_mem>>) src(%arg5 : memref<2640xi32, #tpu.memory_space<hbm>>) dst(%arg9 : memref<2640xi32, #tpu.memory_space<vmem>>)
    %get3A = arith.constant 80 : index
    %get3A_47 = tpu.vector_load %arg9[%get3A] {strides = array<i32>} : memref<2640xi32, #tpu.memory_space<vmem>>, vector<16xi32>,
    %get3A_48 = arith.constant 160 : index
    %get3A_49 = tpu.vector_load %arg9[%get3A_48] {strides = array<i32>} : memref<2640xi32, #tpu.memory_space<vmem>>, vector<16xi32>,
    %bitcast3A = vector.bitcast %get3A_49 : vector<16xi32> to vector<16xf32>
    %add3A_50 = arith.constant 1 : i32
    %add3A_51 = vector.broadcast %add3A_50 : i32 to vector<16xi32>
    %add3A_52 = arith.addi %get3A_47, %add3A_51 : vector<16xi32>
    %gather3A = tpu.vector_load_idx %arg8[%add3A_52] : memref<48xf32, #tpu.memory_space<vmem>>[vector<16xi32>], vector<16xf32>,
    %add3A_53 = arith.constant 3 : i32
    %add3A_54 = vector.broadcast %add3A_53 : i32 to vector<16xi32>
    %add3A_55 = arith.addi %get3A_47, %add3A_54 : vector<16xi32>
    %gather3A_56 = tpu.vector_load_idx %arg8[%add3A_55] : memref<48xf32, #tpu.memory_space<vmem>>[vector<16xi32>], vector<16xf32>,
    %jit3A_57 = arith.constant 0.000000e+00 : f32
    %jit3A_58 = arith.constant 5.110000e+02 : f32
    %max3A = vector.broadcast %jit3A_57 : f32 to vector<16xf32>
    %max3A_59 = arith.maximumf %max3A, %gather3A : vector<16xf32>
    %min3A = vector.broadcast %jit3A_58 : f32 to vector<16xf32>
    %min3A_60 = arith.minimumf %min3A, %max3A_59 : vector<16xf32>
    %jit3A_61 = arith.constant 0.000000e+00 : f32
    %jit3A_62 = arith.constant 5.110000e+02 : f32
    %max3A_63 = vector.broadcast %jit3A_61 : f32 to vector<16xf32>
    %max3A_64 = arith.maximumf %max3A_63, %gather3A_56 : vector<16xf32>
    %min3A_65 = vector.broadcast %jit3A_62 : f32 to vector<16xf32>
    %min3A_66 = arith.minimumf %min3A_65, %max3A_64 : vector<16xf32>
    %sub3A_67 = arith.subf %min3A_66, %min3A_60 : vector<16xf32>
    %mul3A_68 = arith.mulf %bitcast3A, %sub3A_67 : vector<16xf32>
    %add3A_69 = arith.addf %min3A_60, %mul3A_68 : vector<16xf32>
    %convert_element_type3A = arith.fptosi %add3A_69 : vector<16xf32> to vector<16xi32>
    %jit3A_70 = arith.constant 0 : i32
    %jit3A_71 = arith.constant 511 : i32
    %max3A_72 = vector.broadcast %jit3A_70 : i32 to vector<16xi32>
    %max3A_73 = arith.maxsi %max3A_72, %convert_element_type3A : vector<16xi32>
    %min3A_74 = vector.broadcast %jit3A_71 : i32 to vector<16xi32>
    %min3A_75 = arith.minsi %min3A_74, %max3A_73 : vector<16xi32>
    %swap3A = arith.constant 0 : index
    %swap3A_76 = tpu.vector_load %arg11[%swap3A] {strides = array<i32>} : memref<112xf32, #tpu.memory_space<vmem>>, vector<16xf32>,
    tpu.vector_store %arg11[%swap3A], %add3A_69 {strides = array<i32>} : memref<112xf32, #tpu.memory_space<vmem>>, vector<16xf32>,
    %mul3A_77 = arith.constant 512 : i32
    %mul3A_78 = arith.muli %select_n3A, %mul3A_77 : i32
    %add3A_79 = vector.broadcast %mul3A_78 : i32 to vector<16xi32>
    %add3A_80 = arith.addi %add3A_79, %min3A_75 : vector<16xi32>
    %swap3A_81 = arith.constant 0 : index
    %swap3A_82 = tpu.vector_load %arg10[%swap3A_81] {strides = array<i32>} : memref<80xi32, #tpu.memory_space<vmem>>, vector<16xi32>,
    tpu.vector_store %arg10[%swap3A_81], %add3A_80 {strides = array<i32>} : memref<80xi32, #tpu.memory_space<vmem>>, vector<16xi32>,
    %get3A_83 = arith.constant 96 : index
    %get3A_84 = tpu.vector_load %arg9[%get3A_83] {strides = array<i32>} : memref<2640xi32, #tpu.memory_space<vmem>>, vector<16xi32>,
    %get3A_85 = arith.constant 176 : index
    %get3A_86 = tpu.vector_load %arg9[%get3A_85] {strides = array<i32>} : memref<2640xi32, #tpu.memory_space<vmem>>, vector<16xi32>,
    %bitcast3A_87 = vector.bitcast %get3A_86 : vector<16xi32> to vector<16xf32>
    %add3A_88 = arith.constant 1 : i32
    %add3A_89 = vector.broadcast %add3A_88 : i32 to vector<16xi32>
    %add3A_90 = arith.addi %get3A_84, %add3A_89 : vector<16xi32>
    %gather3A_91 = tpu.vector_load_idx %arg8[%add3A_90] : memref<48xf32, #tpu.memory_space<vmem>>[vector<16xi32>], vector<16xf32>,
    %add3A_92 = arith.constant 3 : i32
    %add3A_93 = vector.broadcast %add3A_92 : i32 to vector<16xi32>
    %add3A_94 = arith.addi %get3A_84, %add3A_93 : vector<16xi32>
    %gather3A_95 = tpu.vector_load_idx %arg8[%add3A_94] : memref<48xf32, #tpu.memory_space<vmem>>[vector<16xi32>], vector<16xf32>,
    %jit3A_96 = arith.constant 0.000000e+00 : f32
    %jit3A_97 = arith.constant 5.110000e+02 : f32
    %max3A_98 = vector.broadcast %jit3A_96 : f32 to vector<16xf32>
    %max3A_99 = arith.maximumf %max3A_98, %gather3A_91 : vector<16xf32>
    %min3A_100 = vector.broadcast %jit3A_97 : f32 to vector<16xf32>
    %min3A_101 = arith.minimumf %min3A_100, %max3A_99 : vector<16xf32>
    %jit3A_102 = arith.constant 0.000000e+00 : f32
    %jit3A_103 = arith.constant 5.110000e+02 : f32
    %max3A_104 = vector.broadcast %jit3A_102 : f32 to vector<16xf32>
    %max3A_105 = arith.maximumf %max3A_104, %gather3A_95 : vector<16xf32>
    %min3A_106 = vector.broadcast %jit3A_103 : f32 to vector<16xf32>
    %min3A_107 = arith.minimumf %min3A_106, %max3A_105 : vector<16xf32>
    %sub3A_108 = arith.subf %min3A_107, %min3A_101 : vector<16xf32>
    %mul3A_109 = arith.mulf %bitcast3A_87, %sub3A_108 : vector<16xf32>
    %add3A_110 = arith.addf %min3A_101, %mul3A_109 : vector<16xf32>
    %convert_element_type3A_111 = arith.fptosi %add3A_110 : vector<16xf32> to vector<16xi32>
    %jit3A_112 = arith.constant 0 : i32
    %jit3A_113 = arith.constant 511 : i32
    %max3A_114 = vector.broadcast %jit3A_112 : i32 to vector<16xi32>
    %max3A_115 = arith.maxsi %max3A_114, %convert_element_type3A_111 : vector<16xi32>
    %min3A_116 = vector.broadcast %jit3A_113 : i32 to vector<16xi32>
    %min3A_117 = arith.minsi %min3A_116, %max3A_115 : vector<16xi32>
    %swap3A_118 = arith.constant 16 : index
    %swap3A_119 = tpu.vector_load %arg11[%swap3A_118] {strides = array<i32>} : memref<112xf32, #tpu.memory_space<vmem>>, vector<16xf32>,
    tpu.vector_store %arg11[%swap3A_118], %add3A_110 {strides = array<i32>} : memref<112xf32, #tpu.memory_space<vmem>>, vector<16xf32>,
    %mul3A_120 = arith.constant 512 : i32
    %mul3A_121 = arith.muli %select_n3A, %mul3A_120 : i32
    %add3A_122 = vector.broadcast %mul3A_121 : i32 to vector<16xi32>
    %add3A_123 = arith.addi %add3A_122, %min3A_117 : vector<16xi32>
    %swap3A_124 = arith.constant 16 : index
    %swap3A_125 = tpu.vector_load %arg10[%swap3A_124] {strides = array<i32>} : memref<80xi32, #tpu.memory_space<vmem>>, vector<16xi32>,
    tpu.vector_store %arg10[%swap3A_124], %add3A_123 {strides = array<i32>} : memref<80xi32, #tpu.memory_space<vmem>>, vector<16xi32>,
    %get3A_126 = arith.constant 112 : index
    %get3A_127 = tpu.vector_load %arg9[%get3A_126] {strides = array<i32>} : memref<2640xi32, #tpu.memory_space<vmem>>, vector<16xi32>,
    %get3A_128 = arith.constant 192 : index
    %get3A_129 = tpu.vector_load %arg9[%get3A_128] {strides = array<i32>} : memref<2640xi32, #tpu.memory_space<vmem>>, vector<16xi32>,
    %bitcast3A_130 = vector.bitcast %get3A_129 : vector<16xi32> to vector<16xf32>
    %add3A_131 = arith.constant 1 : i32
    %add3A_132 = vector.broadcast %add3A_131 : i32 to vector<16xi32>
    %add3A_133 = arith.addi %get3A_127, %add3A_132 : vector<16xi32>
    %gather3A_134 = tpu.vector_load_idx %arg8[%add3A_133] : memref<48xf32, #tpu.memory_space<vmem>>[vector<16xi32>], vector<16xf32>,
    %add3A_135 = arith.constant 3 : i32
    %add3A_136 = vector.broadcast %add3A_135 : i32 to vector<16xi32>
    %add3A_137 = arith.addi %get3A_127, %add3A_136 : vector<16xi32>
    %gather3A_138 = tpu.vector_load_idx %arg8[%add3A_137] : memref<48xf32, #tpu.memory_space<vmem>>[vector<16xi32>], vector<16xf32>,
    %jit3A_139 = arith.constant 0.000000e+00 : f32
    %jit3A_140 = arith.constant 5.110000e+02 : f32
    %max3A_141 = vector.broadcast %jit3A_139 : f32 to vector<16xf32>
    %max3A_142 = arith.maximumf %max3A_141, %gather3A_134 : vector<16xf32>
    %min3A_143 = vector.broadcast %jit3A_140 : f32 to vector<16xf32>
    %min3A_144 = arith.minimumf %min3A_143, %max3A_142 : vector<16xf32>
    %jit3A_145 = arith.constant 0.000000e+00 : f32
    %jit3A_146 = arith.constant 5.110000e+02 : f32
    %max3A_147 = vector.broadcast %jit3A_145 : f32 to vector<16xf32>
    %max3A_148 = arith.maximumf %max3A_147, %gather3A_138 : vector<16xf32>
    %min3A_149 = vector.broadcast %jit3A_146 : f32 to vector<16xf32>
    %min3A_150 = arith.minimumf %min3A_149, %max3A_148 : vector<16xf32>
    %sub3A_151 = arith.subf %min3A_150, %min3A_144 : vector<16xf32>
    %mul3A_152 = arith.mulf %bitcast3A_130, %sub3A_151 : vector<16xf32>
    %add3A_153 = arith.addf %min3A_144, %mul3A_152 : vector<16xf32>
    %convert_element_type3A_154 = arith.fptosi %add3A_153 : vector<16xf32> to vector<16xi32>
    %jit3A_155 = arith.constant 0 : i32
    %jit3A_156 = arith.constant 511 : i32
    %max3A_157 = vector.broadcast %jit3A_155 : i32 to vector<16xi32>
    %max3A_158 = arith.maxsi %max3A_157, %convert_element_type3A_154 : vector<16xi32>
    %min3A_159 = vector.broadcast %jit3A_156 : i32 to vector<16xi32>
    %min3A_160 = arith.minsi %min3A_159, %max3A_158 : vector<16xi32>
    %swap3A_161 = arith.constant 32 : index
    %swap3A_162 = tpu.vector_load %arg11[%swap3A_161] {strides = array<i32>} : memref<112xf32, #tpu.memory_space<vmem>>, vector<16xf32>,
    tpu.vector_store %arg11[%swap3A_161], %add3A_153 {strides = array<i32>} : memref<112xf32, #tpu.memory_space<vmem>>, vector<16xf32>,
    %mul3A_163 = arith.constant 512 : i32
    %mul3A_164 = arith.muli %select_n3A, %mul3A_163 : i32
    %add3A_165 = vector.broadcast %mul3A_164 : i32 to vector<16xi32>
    %add3A_166 = arith.addi %add3A_165, %min3A_160 : vector<16xi32>
    %swap3A_167 = arith.constant 32 : index
    %swap3A_168 = tpu.vector_load %arg10[%swap3A_167] {strides = array<i32>} : memref<80xi32, #tpu.memory_space<vmem>>, vector<16xi32>,
    tpu.vector_store %arg10[%swap3A_167], %add3A_166 {strides = array<i32>} : memref<80xi32, #tpu.memory_space<vmem>>, vector<16xi32>,
    %get3A_169 = arith.constant 128 : index
    %get3A_170 = tpu.vector_load %arg9[%get3A_169] {strides = array<i32>} : memref<2640xi32, #tpu.memory_space<vmem>>, vector<16xi32>,
    %get3A_171 = arith.constant 208 : index
    %get3A_172 = tpu.vector_load %arg9[%get3A_171] {strides = array<i32>} : memref<2640xi32, #tpu.memory_space<vmem>>, vector<16xi32>,
    %bitcast3A_173 = vector.bitcast %get3A_172 : vector<16xi32> to vector<16xf32>
    %add3A_174 = arith.constant 1 : i32
    %add3A_175 = vector.broadcast %add3A_174 : i32 to vector<16xi32>
    %add3A_176 = arith.addi %get3A_170, %add3A_175 : vector<16xi32>
    %gather3A_177 = tpu.vector_load_idx %arg8[%add3A_176] : memref<48xf32, #tpu.memory_space<vmem>>[vector<16xi32>], vector<16xf32>,
    %add3A_178 = arith.constant 3 : i32
    %add3A_179 = vector.broadcast %add3A_178 : i32 to vector<16xi32>
    %add3A_180 = arith.addi %get3A_170, %add3A_179 : vector<16xi32>
    %gather3A_181 = tpu.vector_load_idx %arg8[%add3A_180] : memref<48xf32, #tpu.memory_space<vmem>>[vector<16xi32>], vector<16xf32>,
    %jit3A_182 = arith.constant 0.000000e+00 : f32
    %jit3A_183 = arith.constant 5.110000e+02 : f32
    %max3A_184 = vector.broadcast %jit3A_182 : f32 to vector<16xf32>
    %max3A_185 = arith.maximumf %max3A_184, %gather3A_177 : vector<16xf32>
    %min3A_186 = vector.broadcast %jit3A_183 : f32 to vector<16xf32>
    %min3A_187 = arith.minimumf %min3A_186, %max3A_185 : vector<16xf32>
    %jit3A_188 = arith.constant 0.000000e+00 : f32
    %jit3A_189 = arith.constant 5.110000e+02 : f32
    %max3A_190 = vector.broadcast %jit3A_188 : f32 to vector<16xf32>
    %max3A_191 = arith.maximumf %max3A_190, %gather3A_181 : vector<16xf32>
    %min3A_192 = vector.broadcast %jit3A_189 : f32 to vector<16xf32>
    %min3A_193 = arith.minimumf %min3A_192, %max3A_191 : vector<16xf32>
    %sub3A_194 = arith.subf %min3A_193, %min3A_187 : vector<16xf32>
    %mul3A_195 = arith.mulf %bitcast3A_173, %sub3A_194 : vector<16xf32>
    %add3A_196 = arith.addf %min3A_187, %mul3A_195 : vector<16xf32>
    %convert_element_type3A_197 = arith.fptosi %add3A_196 : vector<16xf32> to vector<16xi32>
    %jit3A_198 = arith.constant 0 : i32
    %jit3A_199 = arith.constant 511 : i32
    %max3A_200 = vector.broadcast %jit3A_198 : i32 to vector<16xi32>
    %max3A_201 = arith.maxsi %max3A_200, %convert_element_type3A_197 : vector<16xi32>
    %min3A_202 = vector.broadcast %jit3A_199 : i32 to vector<16xi32>
    %min3A_203 = arith.minsi %min3A_202, %max3A_201 : vector<16xi32>
    %swap3A_204 = arith.constant 48 : index
    %swap3A_205 = tpu.vector_load %arg11[%swap3A_204] {strides = array<i32>} : memref<112xf32, #tpu.memory_space<vmem>>, vector<16xf32>,
    tpu.vector_store %arg11[%swap3A_204], %add3A_196 {strides = array<i32>} : memref<112xf32, #tpu.memory_space<vmem>>, vector<16xf32>,
    %mul3A_206 = arith.constant 512 : i32
    %mul3A_207 = arith.muli %select_n3A, %mul3A_206 : i32
    %add3A_208 = vector.broadcast %mul3A_207 : i32 to vector<16xi32>
    %add3A_209 = arith.addi %add3A_208, %min3A_203 : vector<16xi32>
    %swap3A_210 = arith.constant 48 : index
    %swap3A_211 = tpu.vector_load %arg10[%swap3A_210] {strides = array<i32>} : memref<80xi32, #tpu.memory_space<vmem>>, vector<16xi32>,
    tpu.vector_store %arg10[%swap3A_210], %add3A_209 {strides = array<i32>} : memref<80xi32, #tpu.memory_space<vmem>>, vector<16xi32>,
    %get3A_212 = arith.constant 144 : index
    %get3A_213 = tpu.vector_load %arg9[%get3A_212] {strides = array<i32>} : memref<2640xi32, #tpu.memory_space<vmem>>, vector<16xi32>,
    %get3A_214 = arith.constant 224 : index
    %get3A_215 = tpu.vector_load %arg9[%get3A_214] {strides = array<i32>} : memref<2640xi32, #tpu.memory_space<vmem>>, vector<16xi32>,
    %bitcast3A_216 = vector.bitcast %get3A_215 : vector<16xi32> to vector<16xf32>
    %add3A_217 = arith.constant 1 : i32
    %add3A_218 = vector.broadcast %add3A_217 : i32 to vector<16xi32>
    %add3A_219 = arith.addi %get3A_213, %add3A_218 : vector<16xi32>
    %gather3A_220 = tpu.vector_load_idx %arg8[%add3A_219] : memref<48xf32, #tpu.memory_space<vmem>>[vector<16xi32>], vector<16xf32>,
    %add3A_221 = arith.constant 3 : i32
    %add3A_222 = vector.broadcast %add3A_221 : i32 to vector<16xi32>
    %add3A_223 = arith.addi %get3A_213, %add3A_222 : vector<16xi32>
    %gather3A_224 = tpu.vector_load_idx %arg8[%add3A_223] : memref<48xf32, #tpu.memory_space<vmem>>[vector<16xi32>], vector<16xf32>,
    %jit3A_225 = arith.constant 0.000000e+00 : f32
    %jit3A_226 = arith.constant 5.110000e+02 : f32
    %max3A_227 = vector.broadcast %jit3A_225 : f32 to vector<16xf32>
    %max3A_228 = arith.maximumf %max3A_227, %gather3A_220 : vector<16xf32>
    %min3A_229 = vector.broadcast %jit3A_226 : f32 to vector<16xf32>
    %min3A_230 = arith.minimumf %min3A_229, %max3A_228 : vector<16xf32>
    %jit3A_231 = arith.constant 0.000000e+00 : f32
    %jit3A_232 = arith.constant 5.110000e+02 : f32
    %max3A_233 = vector.broadcast %jit3A_231 : f32 to vector<16xf32>
    %max3A_234 = arith.maximumf %max3A_233, %gather3A_224 : vector<16xf32>
    %min3A_235 = vector.broadcast %jit3A_232 : f32 to vector<16xf32>
    %min3A_236 = arith.minimumf %min3A_235, %max3A_234 : vector<16xf32>
    %sub3A_237 = arith.subf %min3A_236, %min3A_230 : vector<16xf32>
    %mul3A_238 = arith.mulf %bitcast3A_216, %sub3A_237 : vector<16xf32>
    %add3A_239 = arith.addf %min3A_230, %mul3A_238 : vector<16xf32>
    %convert_element_type3A_240 = arith.fptosi %add3A_239 : vector<16xf32> to vector<16xi32>
    %jit3A_241 = arith.constant 0 : i32
    %jit3A_242 = arith.constant 511 : i32
    %max3A_243 = vector.broadcast %jit3A_241 : i32 to vector<16xi32>
    %max3A_244 = arith.maxsi %max3A_243, %convert_element_type3A_240 : vector<16xi32>
    %min3A_245 = vector.broadcast %jit3A_242 : i32 to vector<16xi32>
    %min3A_246 = arith.minsi %min3A_245, %max3A_244 : vector<16xi32>
    %swap3A_247 = arith.constant 64 : index
    %swap3A_248 = tpu.vector_load %arg11[%swap3A_247] {strides = array<i32>} : memref<112xf32, #tpu.memory_space<vmem>>, vector<16xf32>,
    tpu.vector_store %arg11[%swap3A_247], %add3A_239 {strides = array<i32>} : memref<112xf32, #tpu.memory_space<vmem>>, vector<16xf32>,
    %mul3A_249 = arith.constant 512 : i32
    %mul3A_250 = arith.muli %select_n3A, %mul3A_249 : i32
    %add3A_251 = vector.broadcast %mul3A_250 : i32 to vector<16xi32>
    %add3A_252 = arith.addi %add3A_251, %min3A_246 : vector<16xi32>
    %swap3A_253 = arith.constant 64 : index
    %swap3A_254 = tpu.vector_load %arg10[%swap3A_253] {strides = array<i32>} : memref<80xi32, #tpu.memory_space<vmem>>, vector<16xi32>,
    tpu.vector_store %arg10[%swap3A_253], %add3A_252 {strides = array<i32>} : memref<80xi32, #tpu.memory_space<vmem>>, vector<16xi32>,
    %dma_start3A_255 = arith.constant 0 : i32
    %dma_start3A_256 = arith.constant 0 : i32
    %dma_start3A_257 = tpu.memref_slice %arg12[%dma_start3A_255, %dma_start3A_256] : memref<160x512xf32, #tpu.memory_space<vmem>> -> memref<40x512xf32, #tpu.memory_space<vmem>>
    %dma_start3A_258 = arith.constant 0 : i32
    %dma_start3A_259 = tpu.memref_slice %arg10[%dma_start3A_258] : memref<80xi32, #tpu.memory_space<vmem>> -> memref<40xi32, #tpu.memory_space<vmem>>
    %dma_start3A_260 = arith.constant 0 : i32
    %dma_start3A_261 = arith.constant 0 : i32
    %dma_start3A_262 = tpu.memref_slice %arg3[%dma_start3A_260, %dma_start3A_261] : memref<4096x512xf32, #tpu.memory_space<hbm>> -> memref<4096x512xf32, #tpu.memory_space<hbm>>
    tpu.enqueue_indirect_dma source(%dma_start3A_262 : memref<4096x512xf32, #tpu.memory_space<hbm>>) target(%dma_start3A_257 : memref<40x512xf32, #tpu.memory_space<vmem>>) offsets(%dma_start3A_259 : memref<40xi32, #tpu.memory_space<vmem>>) semaphore(%arg14 : memref<!tpu.dma_semaphore, #tpu.memory_space<semaphore_mem>>)
    %dma_start3A_263 = arith.constant 80 : i32
    %dma_start3A_264 = arith.constant 0 : i32
    %dma_start3A_265 = tpu.memref_slice %arg12[%dma_start3A_263, %dma_start3A_264] : memref<160x512xf32, #tpu.memory_space<vmem>> -> memref<40x512xf32, #tpu.memory_space<vmem>>
    %dma_start3A_266 = arith.constant 0 : i32
    %dma_start3A_267 = tpu.memref_slice %arg10[%dma_start3A_266] : memref<80xi32, #tpu.memory_space<vmem>> -> memref<40xi32, #tpu.memory_space<vmem>>
    %dma_start3A_268 = arith.constant 0 : i32
    %dma_start3A_269 = arith.constant 0 : i32
    %dma_start3A_270 = tpu.memref_slice %arg4[%dma_start3A_268, %dma_start3A_269] : memref<4096x512xf32, #tpu.memory_space<hbm>> -> memref<4096x512xf32, #tpu.memory_space<hbm>>
    tpu.enqueue_indirect_dma source(%dma_start3A_270 : memref<4096x512xf32, #tpu.memory_space<hbm>>) target(%dma_start3A_265 : memref<40x512xf32, #tpu.memory_space<vmem>>) offsets(%dma_start3A_267 : memref<40xi32, #tpu.memory_space<vmem>>) semaphore(%arg14 : memref<!tpu.dma_semaphore, #tpu.memory_space<semaphore_mem>>)
    %dma_start3A_271 = arith.constant 40 : i32
    %dma_start3A_272 = arith.constant 0 : i32
    %dma_start3A_273 = tpu.memref_slice %arg12[%dma_start3A_271, %dma_start3A_272] : memref<160x512xf32, #tpu.memory_space<vmem>> -> memref<40x512xf32, #tpu.memory_space<vmem>>
    %dma_start3A_274 = arith.constant 40 : i32
    %dma_start3A_275 = tpu.memref_slice %arg10[%dma_start3A_274] : memref<80xi32, #tpu.memory_space<vmem>> -> memref<40xi32, #tpu.memory_space<vmem>>
    %dma_start3A_276 = arith.constant 0 : i32
    %dma_start3A_277 = arith.constant 0 : i32
    %dma_start3A_278 = tpu.memref_slice %arg3[%dma_start3A_276, %dma_start3A_277] : memref<4096x512xf32, #tpu.memory_space<hbm>> -> memref<4096x512xf32, #tpu.memory_space<hbm>>
    tpu.enqueue_indirect_dma source(%dma_start3A_278 : memref<4096x512xf32, #tpu.memory_space<hbm>>) target(%dma_start3A_273 : memref<40x512xf32, #tpu.memory_space<vmem>>) offsets(%dma_start3A_275 : memref<40xi32, #tpu.memory_space<vmem>>) semaphore(%arg15 : memref<!tpu.dma_semaphore, #tpu.memory_space<semaphore_mem>>)
    %dma_start3A_279 = arith.constant 120 : i32
    %dma_start3A_280 = arith.constant 0 : i32
    %dma_start3A_281 = tpu.memref_slice %arg12[%dma_start3A_279, %dma_start3A_280] : memref<160x512xf32, #tpu.memory_space<vmem>> -> memref<40x512xf32, #tpu.memory_space<vmem>>
    %dma_start3A_282 = arith.constant 40 : i32
    %dma_start3A_283 = tpu.memref_slice %arg10[%dma_start3A_282] : memref<80xi32, #tpu.memory_space<vmem>> -> memref<40xi32, #tpu.memory_space<vmem>>
    %dma_start3A_284 = arith.constant 0 : i32
    %dma_start3A_285 = arith.constant 0 : i32
    %dma_start3A_286 = tpu.memref_slice %arg4[%dma_start3A_284, %dma_start3A_285] : memref<4096x512xf32, #tpu.memory_space<hbm>> -> memref<4096x512xf32, #tpu.memory_space<hbm>>
    tpu.enqueue_indirect_dma source(%dma_start3A_286 : memref<4096x512xf32, #tpu.memory_space<hbm>>) target(%dma_start3A_281 : memref<40x512xf32, #tpu.memory_space<vmem>>) offsets(%dma_start3A_283 : memref<40xi32, #tpu.memory_space<vmem>>) semaphore(%arg15 : memref<!tpu.dma_semaphore, #tpu.memory_space<semaphore_mem>>)
    %get3A_287 = arith.constant 64 : index
    %get3A_288 = tpu.vector_load %arg9[%get3A_287] {strides = array<i32>} : memref<2640xi32, #tpu.memory_space<vmem>>, vector<16xi32>,
    %gather3A_289 = tpu.vector_load_idx %arg8[%get3A_288] : memref<48xf32, #tpu.memory_space<vmem>>[vector<16xi32>], vector<16xf32>,
    %add3A_290 = arith.constant 2 : i32
    %add3A_291 = vector.broadcast %add3A_290 : i32 to vector<16xi32>
    %add3A_292 = arith.addi %get3A_288, %add3A_291 : vector<16xi32>
    %gather3A_293 = tpu.vector_load_idx %arg8[%add3A_292] : memref<48xf32, #tpu.memory_space<vmem>>[vector<16xi32>], vector<16xf32>,
    %jit3A_294 = arith.constant 0.000000e+00 : f32
    %jit3A_295 = arith.constant 5.110000e+02 : f32
    %max3A_296 = vector.broadcast %jit3A_294 : f32 to vector<16xf32>
    %max3A_297 = arith.maximumf %max3A_296, %gather3A_289 : vector<16xf32>
    %min3A_298 = vector.broadcast %jit3A_295 : f32 to vector<16xf32>
    %min3A_299 = arith.minimumf %min3A_298, %max3A_297 : vector<16xf32>
    %jit3A_300 = arith.constant 0.000000e+00 : f32
    %jit3A_301 = arith.constant 5.110000e+02 : f32
    %max3A_302 = vector.broadcast %jit3A_300 : f32 to vector<16xf32>
    %max3A_303 = arith.maximumf %max3A_302, %gather3A_293 : vector<16xf32>
    %min3A_304 = vector.broadcast %jit3A_301 : f32 to vector<16xf32>
    %min3A_305 = arith.minimumf %min3A_304, %max3A_303 : vector<16xf32>
    %swap3A_306 = arith.constant 80 : index
    %swap3A_307 = tpu.vector_load %arg11[%swap3A_306] {strides = array<i32>} : memref<112xf32, #tpu.memory_space<vmem>>, vector<16xf32>,
    tpu.vector_store %arg11[%swap3A_306], %min3A_299 {strides = array<i32>} : memref<112xf32, #tpu.memory_space<vmem>>, vector<16xf32>,
    %sub3A_308 = arith.subf %min3A_305, %min3A_299 : vector<16xf32>
    %swap3A_309 = arith.constant 96 : index
    %swap3A_310 = tpu.vector_load %arg11[%swap3A_309] {strides = array<i32>} : memref<112xf32, #tpu.memory_space<vmem>>, vector<16xf32>,
    tpu.vector_store %arg11[%swap3A_309], %sub3A_308 {strides = array<i32>} : memref<112xf32, #tpu.memory_space<vmem>>, vector<16xf32>,
    %get3A_311 = arith.constant 0 : index
    %get3A_312 = tpu.vector_load %arg9[%get3A_311] {strides = array<i32>} : memref<2640xi32, #tpu.memory_space<vmem>>, vector<16xi32>,
    %gather3A_313 = tpu.vector_load_idx %arg8[%get3A_312] : memref<48xf32, #tpu.memory_space<vmem>>[vector<16xi32>], vector<16xf32>,
    %get3A_314 = arith.constant 16 : index
    %get3A_315 = tpu.vector_load %arg9[%get3A_314] {strides = array<i32>} : memref<2640xi32, #tpu.memory_space<vmem>>, vector<16xi32>,
    %gather3A_316 = tpu.vector_load_idx %arg8[%get3A_315] : memref<48xf32, #tpu.memory_space<vmem>>[vector<16xi32>], vector<16xf32>,
    %get3A_317 = arith.constant 32 : index
    %get3A_318 = tpu.vector_load %arg9[%get3A_317] {strides = array<i32>} : memref<2640xi32, #tpu.memory_space<vmem>>, vector<16xi32>,
    %gather3A_319 = tpu.vector_load_idx %arg8[%get3A_318] : memref<48xf32, #tpu.memory_space<vmem>>[vector<16xi32>], vector<16xf32>,
    %get3A_320 = arith.constant 48 : index
    %get3A_321 = tpu.vector_load %arg9[%get3A_320] {strides = array<i32>} : memref<2640xi32, #tpu.memory_space<vmem>>, vector<16xi32>,
    %gather3A_322 = tpu.vector_load_idx %arg8[%get3A_321] : memref<48xf32, #tpu.memory_space<vmem>>[vector<16xi32>], vector<16xf32>,
    %div3A_323 = arith.constant 1.000000e+00 : f32
    %div3A_324 = vector.broadcast %div3A_323 : f32 to vector<16xf32>
    %div3A_325 = arith.divf %div3A_324, %gather3A_313 : vector<16xf32>
    %div3A_326 = arith.constant 1.000000e+00 : f32
    %div3A_327 = vector.broadcast %div3A_326 : f32 to vector<16xf32>
    %div3A_328 = arith.divf %div3A_327, %gather3A_316 : vector<16xf32>
    %dma_wait3A_329 = arith.constant 0 : i32
    %dma_wait3A_330 = arith.constant 0 : i32
    %dma_wait3A_331 = tpu.memref_slice %arg12[%dma_wait3A_329, %dma_wait3A_330] : memref<160x512xf32, #tpu.memory_space<vmem>> -> memref<40x512xf32, #tpu.memory_space<vmem>>
    %dma_wait3A_332 = arith.constant 0 : i32
    %dma_wait3A_333 = tpu.memref_slice %arg10[%dma_wait3A_332] : memref<80xi32, #tpu.memory_space<vmem>> -> memref<40xi32, #tpu.memory_space<vmem>>
    %dma_wait3A_334 = arith.constant 0 : i32
    %dma_wait3A_335 = arith.constant 0 : i32
    %dma_wait3A_336 = tpu.memref_slice %arg3[%dma_wait3A_334, %dma_wait3A_335] : memref<4096x512xf32, #tpu.memory_space<hbm>> -> memref<4096x512xf32, #tpu.memory_space<hbm>>
    tpu.wait_indirect_dma semaphore(%arg14 : memref<!tpu.dma_semaphore, #tpu.memory_space<semaphore_mem>>) src(%dma_wait3A_336 : memref<4096x512xf32, #tpu.memory_space<hbm>>) dst(%dma_wait3A_331 : memref<40x512xf32, #tpu.memory_space<vmem>>)
    %dma_wait3A_337 = arith.constant 80 : i32
    %dma_wait3A_338 = arith.constant 0 : i32
    %dma_wait3A_339 = tpu.memref_slice %arg12[%dma_wait3A_337, %dma_wait3A_338] : memref<160x512xf32, #tpu.memory_space<vmem>> -> memref<40x512xf32, #tpu.memory_space<vmem>>
    %dma_wait3A_340 = arith.constant 0 : i32
    %dma_wait3A_341 = tpu.memref_slice %arg10[%dma_wait3A_340] : memref<80xi32, #tpu.memory_space<vmem>> -> memref<40xi32, #tpu.memory_space<vmem>>
    %dma_wait3A_342 = arith.constant 0 : i32
    %dma_wait3A_343 = arith.constant 0 : i32
    %dma_wait3A_344 = tpu.memref_slice %arg4[%dma_wait3A_342, %dma_wait3A_343] : memref<4096x512xf32, #tpu.memory_space<hbm>> -> memref<4096x512xf32, #tpu.memory_space<hbm>>
    tpu.wait_indirect_dma semaphore(%arg14 : memref<!tpu.dma_semaphore, #tpu.memory_space<semaphore_mem>>) src(%dma_wait3A_344 : memref<4096x512xf32, #tpu.memory_space<hbm>>) dst(%dma_wait3A_339 : memref<40x512xf32, #tpu.memory_space<vmem>>)
    %scan3A = arith.constant 0 : i32
    %scan3A_345 = arith.constant 0 : i32
    %scan3A_346 = arith.constant 25 : i32
    %scan3A_347 = arith.addi %scan3A_345, %scan3A_346 : i32
    %scan3A_348 = arith.constant 1 : i32
    scf.for %scan3A_456 = %scan3A_345 to %scan3A_347 step %scan3A_348  : i32 {
      %mul3A_457 = arith.constant 16 : i32
      %mul3A_458 = arith.muli %scan3A_456, %mul3A_457 : i32
      %add3A_459 = arith.constant 240 : i32
      %add3A_460 = arith.addi %add3A_459, %mul3A_458 : i32
      %get3A_461 = arith.index_cast %add3A_460 : i32 to index
      %get3A_462 = tpu.vector_load %arg9[%get3A_461] {strides = array<i32>} : memref<2640xi32, #tpu.memory_space<vmem>>, vector<16xi32>,
      %add3A_463 = arith.constant 1040 : i32
      %add3A_464 = arith.addi %add3A_463, %mul3A_458 : i32
      %get3A_465 = arith.index_cast %add3A_464 : i32 to index
      %get3A_466 = tpu.vector_load %arg9[%get3A_465] {strides = array<i32>} : memref<2640xi32, #tpu.memory_space<vmem>>, vector<16xi32>,
      %add3A_467 = arith.constant 1840 : i32
      %add3A_468 = arith.addi %add3A_467, %mul3A_458 : i32
      %get3A_469 = arith.index_cast %add3A_468 : i32 to index
      %get3A_470 = tpu.vector_load %arg9[%get3A_469] {strides = array<i32>} : memref<2640xi32, #tpu.memory_space<vmem>>, vector<16xi32>,
      %bitcast3A_471 = vector.bitcast %get3A_470 : vector<16xi32> to vector<16xf32>
      %gather3A_472 = tpu.vector_load_idx %arg11[%get3A_462] : memref<112xf32, #tpu.memory_space<vmem>>[vector<16xi32>], vector<16xf32>,
      %add3A_473 = arith.constant 16 : i32
      %add3A_474 = vector.broadcast %add3A_473 : i32 to vector<16xi32>
      %add3A_475 = arith.addi %get3A_462, %add3A_474 : vector<16xi32>
      %gather3A_476 = tpu.vector_load_idx %arg11[%add3A_475] : memref<112xf32, #tpu.memory_space<vmem>>[vector<16xi32>], vector<16xf32>,
      %mul3A_477 = arith.mulf %bitcast3A_471, %gather3A_476 : vector<16xf32>
      %add3A_478 = arith.addf %gather3A_472, %mul3A_477 : vector<16xf32>
      %gather3A_479 = tpu.vector_load_idx %arg11[%get3A_466] : memref<112xf32, #tpu.memory_space<vmem>>[vector<16xi32>], vector<16xf32>,
      %convert_element_type3A_480 = arith.fptosi %add3A_478 : vector<16xf32> to vector<16xi32>
      %jit3A_481 = arith.constant 0 : i32
      %jit3A_482 = arith.constant 511 : i32
      %max3A_483 = vector.broadcast %jit3A_481 : i32 to vector<16xi32>
      %max3A_484 = arith.maxsi %max3A_483, %convert_element_type3A_480 : vector<16xi32>
      %min3A_485 = vector.broadcast %jit3A_482 : i32 to vector<16xi32>
      %min3A_486 = arith.minsi %min3A_485, %max3A_484 : vector<16xi32>
      %gather3A_487 = tpu.vector_load_idx %arg12[%get3A_466, %min3A_486] : memref<160x512xf32, #tpu.memory_space<vmem>>[vector<16xi32>, vector<16xi32>], vector<16xf32>,
      %add3A_488 = arith.constant 80 : i32
      %add3A_489 = vector.broadcast %add3A_488 : i32 to vector<16xi32>
      %add3A_490 = arith.addi %get3A_466, %add3A_489 : vector<16xi32>
      %gather3A_491 = tpu.vector_load_idx %arg12[%add3A_490, %min3A_486] : memref<160x512xf32, #tpu.memory_space<vmem>>[vector<16xi32>, vector<16xi32>], vector<16xf32>,
      %mul3A_492 = arith.constant -1.000000e+00 : f32
      %mul3A_493 = vector.broadcast %mul3A_492 : f32 to vector<16xf32>
      %mul3A_494 = arith.mulf %mul3A_493, %gather3A_491 : vector<16xf32>
      %exp3A = math.exp %mul3A_494 : vector<16xf32>
      %jit3A_495 = arith.constant 0.000000e+00 : f32
      %jit3A_496 = arith.constant 1.000000e+00 : f32
      %max3A_497 = vector.broadcast %jit3A_495 : f32 to vector<16xf32>
      %max3A_498 = arith.maximumf %max3A_497, %exp3A : vector<16xf32>
      %min3A_499 = vector.broadcast %jit3A_496 : f32 to vector<16xf32>
      %min3A_500 = arith.minimumf %min3A_499, %max3A_498 : vector<16xf32>
      %sub3A_501 = arith.subf %add3A_478, %gather3A_319 : vector<16xf32>
      %mul3A_502 = arith.mulf %sub3A_501, %gather3A_487 : vector<16xf32>
      %mul3A_503 = arith.mulf %mul3A_502, %div3A_325 : vector<16xf32>
      %sub3A_504 = arith.subf %gather3A_479, %gather3A_322 : vector<16xf32>
      %mul3A_505 = arith.mulf %sub3A_504, %gather3A_487 : vector<16xf32>
      %mul3A_506 = arith.mulf %mul3A_505, %div3A_328 : vector<16xf32>
      %neg3A = arith.constant 0.000000e+00 : f32
      %neg3A_507 = vector.broadcast %neg3A : f32 to vector<16xf32>
      %neg3A_508 = arith.subf %neg3A_507, %mul3A_503 : vector<16xf32>
      %neg3A_509 = arith.constant 0.000000e+00 : f32
      %neg3A_510 = vector.broadcast %neg3A_509 : f32 to vector<16xf32>
      %neg3A_511 = arith.subf %neg3A_510, %mul3A_506 : vector<16xf32>
      %gt3A = arith.constant 5.000000e-01 : f32
      %gt3A_512 = vector.broadcast %gt3A : f32 to vector<16xf32>
      %gt3A_513 = arith.cmpf ogt, %gather3A_487, %gt3A_512 : vector<16xf32>
      %gt3A_514 = arith.constant 0.000000e+00 : f32
      %gt3A_515 = vector.broadcast %gt3A_514 : f32 to vector<16xf32>
      %gt3A_516 = arith.cmpf ogt, %gather3A_487, %gt3A_515 : vector<16xf32>
      %and3A_517 = arith.andi %gt3A_513, %gt3A_516 : vector<16xi1>
      %lt3A = arith.constant 8.000000e+01 : f32
      %lt3A_518 = vector.broadcast %lt3A : f32 to vector<16xf32>
      %lt3A_519 = arith.cmpf olt, %gather3A_487, %lt3A_518 : vector<16xf32>
      %and3A_520 = arith.andi %and3A_517, %lt3A_519 : vector<16xi1>
      %gt3A_521 = arith.constant -4.000000e+01 : f32
      %gt3A_522 = vector.broadcast %gt3A_521 : f32 to vector<16xf32>
      %gt3A_523 = arith.cmpf ogt, %neg3A_508, %gt3A_522 : vector<16xf32>
      %and3A_524 = arith.andi %and3A_520, %gt3A_523 : vector<16xi1>
      %lt3A_525 = arith.constant 4.000000e+01 : f32
      %lt3A_526 = vector.broadcast %lt3A_525 : f32 to vector<16xf32>
      %lt3A_527 = arith.cmpf olt, %neg3A_508, %lt3A_526 : vector<16xf32>
      %and3A_528 = arith.andi %and3A_524, %lt3A_527 : vector<16xi1>
      %jit3A_529 = arith.constant 1.000000e+00 : f32
      %jit3A_530 = arith.constant 0.000000e+00 : f32
      %broadcast_in_dim3A = vector.broadcast %jit3A_529 : f32 to vector<16xf32>
      %broadcast_in_dim3A_531 = vector.broadcast %jit3A_530 : f32 to vector<16xf32>
      %select_n3A_532 = arith.select %and3A_528, %broadcast_in_dim3A, %broadcast_in_dim3A_531 : vector<16xi1>, vector<16xf32>
      %mul3A_533 = arith.mulf %gather3A_487, %select_n3A_532 : vector<16xf32>
      %swap3A_534 = arith.index_cast %mul3A_458 : i32 to index
      %swap3A_535 = tpu.vector_load %arg13[%swap3A_534] {strides = array<i32>} : memref<4800xf32, #tpu.memory_space<vmem>>, vector<16xf32>,
      tpu.vector_store %arg13[%swap3A_534], %mul3A_533 {strides = array<i32>} : memref<4800xf32, #tpu.memory_space<vmem>>, vector<16xf32>,
      %mul3A_536 = arith.mulf %neg3A_508, %select_n3A_532 : vector<16xf32>
      %add3A_537 = arith.constant 800 : i32
      %add3A_538 = arith.addi %add3A_537, %mul3A_458 : i32
      %swap3A_539 = arith.index_cast %add3A_538 : i32 to index
      %swap3A_540 = tpu.vector_load %arg13[%swap3A_539] {strides = array<i32>} : memref<4800xf32, #tpu.memory_space<vmem>>, vector<16xf32>,
      tpu.vector_store %arg13[%swap3A_539], %mul3A_536 {strides = array<i32>} : memref<4800xf32, #tpu.memory_space<vmem>>, vector<16xf32>,
      %mul3A_541 = arith.mulf %neg3A_511, %select_n3A_532 : vector<16xf32>
      %add3A_542 = arith.constant 1600 : i32
      %add3A_543 = arith.addi %add3A_542, %mul3A_458 : i32
      %swap3A_544 = arith.index_cast %add3A_543 : i32 to index
      %swap3A_545 = tpu.vector_load %arg13[%swap3A_544] {strides = array<i32>} : memref<4800xf32, #tpu.memory_space<vmem>>, vector<16xf32>,
      tpu.vector_store %arg13[%swap3A_544], %mul3A_541 {strides = array<i32>} : memref<4800xf32, #tpu.memory_space<vmem>>, vector<16xf32>,
      %broadcast_in_dim3A_546 = arith.constant 0.000000e+00 : f32
      %broadcast_in_dim3A_547 = vector.broadcast %broadcast_in_dim3A_546 : f32 to vector<16xf32>
      %add3A_548 = arith.constant 2400 : i32
      %add3A_549 = arith.addi %add3A_548, %mul3A_458 : i32
      %swap3A_550 = arith.index_cast %add3A_549 : i32 to index
      %swap3A_551 = tpu.vector_load %arg13[%swap3A_550] {strides = array<i32>} : memref<4800xf32, #tpu.memory_space<vmem>>, vector<16xf32>,
      tpu.vector_store %arg13[%swap3A_550], %broadcast_in_dim3A_547 {strides = array<i32>} : memref<4800xf32, #tpu.memory_space<vmem>>, vector<16xf32>,
      %mul3A_552 = arith.constant 1.000000e+01 : f32
      %mul3A_553 = vector.broadcast %mul3A_552 : f32 to vector<16xf32>
      %mul3A_554 = arith.mulf %mul3A_553, %select_n3A_532 : vector<16xf32>
      %add3A_555 = arith.constant 3200 : i32
      %add3A_556 = arith.addi %add3A_555, %mul3A_458 : i32
      %swap3A_557 = arith.index_cast %add3A_556 : i32 to index
      %swap3A_558 = tpu.vector_load %arg13[%swap3A_557] {strides = array<i32>} : memref<4800xf32, #tpu.memory_space<vmem>>, vector<16xf32>,
      tpu.vector_store %arg13[%swap3A_557], %mul3A_554 {strides = array<i32>} : memref<4800xf32, #tpu.memory_space<vmem>>, vector<16xf32>,
      %mul3A_559 = arith.mulf %min3A_500, %select_n3A_532 : vector<16xf32>
      %add3A_560 = arith.constant 4000 : i32
      %add3A_561 = arith.addi %add3A_560, %mul3A_458 : i32
      %swap3A_562 = arith.index_cast %add3A_561 : i32 to index
      %swap3A_563 = tpu.vector_load %arg13[%swap3A_562] {strides = array<i32>} : memref<4800xf32, #tpu.memory_space<vmem>>, vector<16xf32>,
      tpu.vector_store %arg13[%swap3A_562], %mul3A_559 {strides = array<i32>} : memref<4800xf32, #tpu.memory_space<vmem>>, vector<16xf32>,
    }
    %scan3A_349 = arith.constant 25 : i32
    %dma_wait3A_350 = arith.constant 40 : i32
    %dma_wait3A_351 = arith.constant 0 : i32
    %dma_wait3A_352 = tpu.memref_slice %arg12[%dma_wait3A_350, %dma_wait3A_351] : memref<160x512xf32, #tpu.memory_space<vmem>> -> memref<40x512xf32, #tpu.memory_space<vmem>>
    %dma_wait3A_353 = arith.constant 40 : i32
    %dma_wait3A_354 = tpu.memref_slice %arg10[%dma_wait3A_353] : memref<80xi32, #tpu.memory_space<vmem>> -> memref<40xi32, #tpu.memory_space<vmem>>
    %dma_wait3A_355 = arith.constant 0 : i32
    %dma_wait3A_356 = arith.constant 0 : i32
    %dma_wait3A_357 = tpu.memref_slice %arg3[%dma_wait3A_355, %dma_wait3A_356] : memref<4096x512xf32, #tpu.memory_space<hbm>> -> memref<4096x512xf32, #tpu.memory_space<hbm>>
    tpu.wait_indirect_dma semaphore(%arg15 : memref<!tpu.dma_semaphore, #tpu.memory_space<semaphore_mem>>) src(%dma_wait3A_357 : memref<4096x512xf32, #tpu.memory_space<hbm>>) dst(%dma_wait3A_352 : memref<40x512xf32, #tpu.memory_space<vmem>>)
    %dma_wait3A_358 = arith.constant 120 : i32
    %dma_wait3A_359 = arith.constant 0 : i32
    %dma_wait3A_360 = tpu.memref_slice %arg12[%dma_wait3A_358, %dma_wait3A_359] : memref<160x512xf32, #tpu.memory_space<vmem>> -> memref<40x512xf32, #tpu.memory_space<vmem>>
    %dma_wait3A_361 = arith.constant 40 : i32
    %dma_wait3A_362 = tpu.memref_slice %arg10[%dma_wait3A_361] : memref<80xi32, #tpu.memory_space<vmem>> -> memref<40xi32, #tpu.memory_space<vmem>>
    %dma_wait3A_363 = arith.constant 0 : i32
    %dma_wait3A_364 = arith.constant 0 : i32
    %dma_wait3A_365 = tpu.memref_slice %arg4[%dma_wait3A_363, %dma_wait3A_364] : memref<4096x512xf32, #tpu.memory_space<hbm>> -> memref<4096x512xf32, #tpu.memory_space<hbm>>
    tpu.wait_indirect_dma semaphore(%arg15 : memref<!tpu.dma_semaphore, #tpu.memory_space<semaphore_mem>>) src(%dma_wait3A_365 : memref<4096x512xf32, #tpu.memory_space<hbm>>) dst(%dma_wait3A_360 : memref<40x512xf32, #tpu.memory_space<vmem>>)
    %scan3A_366 = arith.constant 0 : i32
    %scan3A_367 = arith.constant 25 : i32
    %scan3A_368 = arith.constant 25 : i32
    %scan3A_369 = arith.addi %scan3A_367, %scan3A_368 : i32
    %scan3A_370 = arith.constant 1 : i32
    scf.for %scan3A_456 = %scan3A_367 to %scan3A_369 step %scan3A_370  : i32 {
      %mul3A_457 = arith.constant 16 : i32
      %mul3A_458 = arith.muli %scan3A_456, %mul3A_457 : i32
      %add3A_459 = arith.constant 240 : i32
      %add3A_460 = arith.addi %add3A_459, %mul3A_458 : i32
      %get3A_461 = arith.index_cast %add3A_460 : i32 to index
      %get3A_462 = tpu.vector_load %arg9[%get3A_461] {strides = array<i32>} : memref<2640xi32, #tpu.memory_space<vmem>>, vector<16xi32>,
      %add3A_463 = arith.constant 1040 : i32
      %add3A_464 = arith.addi %add3A_463, %mul3A_458 : i32
      %get3A_465 = arith.index_cast %add3A_464 : i32 to index
      %get3A_466 = tpu.vector_load %arg9[%get3A_465] {strides = array<i32>} : memref<2640xi32, #tpu.memory_space<vmem>>, vector<16xi32>,
      %add3A_467 = arith.constant 1840 : i32
      %add3A_468 = arith.addi %add3A_467, %mul3A_458 : i32
      %get3A_469 = arith.index_cast %add3A_468 : i32 to index
      %get3A_470 = tpu.vector_load %arg9[%get3A_469] {strides = array<i32>} : memref<2640xi32, #tpu.memory_space<vmem>>, vector<16xi32>,
      %bitcast3A_471 = vector.bitcast %get3A_470 : vector<16xi32> to vector<16xf32>
      %gather3A_472 = tpu.vector_load_idx %arg11[%get3A_462] : memref<112xf32, #tpu.memory_space<vmem>>[vector<16xi32>], vector<16xf32>,
      %add3A_473 = arith.constant 16 : i32
      %add3A_474 = vector.broadcast %add3A_473 : i32 to vector<16xi32>
      %add3A_475 = arith.addi %get3A_462, %add3A_474 : vector<16xi32>
      %gather3A_476 = tpu.vector_load_idx %arg11[%add3A_475] : memref<112xf32, #tpu.memory_space<vmem>>[vector<16xi32>], vector<16xf32>,
      %mul3A_477 = arith.mulf %bitcast3A_471, %gather3A_476 : vector<16xf32>
      %add3A_478 = arith.addf %gather3A_472, %mul3A_477 : vector<16xf32>
      %gather3A_479 = tpu.vector_load_idx %arg11[%get3A_466] : memref<112xf32, #tpu.memory_space<vmem>>[vector<16xi32>], vector<16xf32>,
      %convert_element_type3A_480 = arith.fptosi %add3A_478 : vector<16xf32> to vector<16xi32>
      %jit3A_481 = arith.constant 0 : i32
      %jit3A_482 = arith.constant 511 : i32
      %max3A_483 = vector.broadcast %jit3A_481 : i32 to vector<16xi32>
      %max3A_484 = arith.maxsi %max3A_483, %convert_element_type3A_480 : vector<16xi32>
      %min3A_485 = vector.broadcast %jit3A_482 : i32 to vector<16xi32>
      %min3A_486 = arith.minsi %min3A_485, %max3A_484 : vector<16xi32>
      %gather3A_487 = tpu.vector_load_idx %arg12[%get3A_466, %min3A_486] : memref<160x512xf32, #tpu.memory_space<vmem>>[vector<16xi32>, vector<16xi32>], vector<16xf32>,
      %add3A_488 = arith.constant 80 : i32
      %add3A_489 = vector.broadcast %add3A_488 : i32 to vector<16xi32>
      %add3A_490 = arith.addi %get3A_466, %add3A_489 : vector<16xi32>
      %gather3A_491 = tpu.vector_load_idx %arg12[%add3A_490, %min3A_486] : memref<160x512xf32, #tpu.memory_space<vmem>>[vector<16xi32>, vector<16xi32>], vector<16xf32>,
      %mul3A_492 = arith.constant -1.000000e+00 : f32
      %mul3A_493 = vector.broadcast %mul3A_492 : f32 to vector<16xf32>
      %mul3A_494 = arith.mulf %mul3A_493, %gather3A_491 : vector<16xf32>
      %exp3A = math.exp %mul3A_494 : vector<16xf32>
      %jit3A_495 = arith.constant 0.000000e+00 : f32
      %jit3A_496 = arith.constant 1.000000e+00 : f32
      %max3A_497 = vector.broadcast %jit3A_495 : f32 to vector<16xf32>
      %max3A_498 = arith.maximumf %max3A_497, %exp3A : vector<16xf32>
      %min3A_499 = vector.broadcast %jit3A_496 : f32 to vector<16xf32>
      %min3A_500 = arith.minimumf %min3A_499, %max3A_498 : vector<16xf32>
      %sub3A_501 = arith.subf %add3A_478, %gather3A_319 : vector<16xf32>
      %mul3A_502 = arith.mulf %sub3A_501, %gather3A_487 : vector<16xf32>
      %mul3A_503 = arith.mulf %mul3A_502, %div3A_325 : vector<16xf32>
      %sub3A_504 = arith.subf %gather3A_479, %gather3A_322 : vector<16xf32>
      %mul3A_505 = arith.mulf %sub3A_504, %gather3A_487 : vector<16xf32>
      %mul3A_506 = arith.mulf %mul3A_505, %div3A_328 : vector<16xf32>
      %neg3A = arith.constant 0.000000e+00 : f32
      %neg3A_507 = vector.broadcast %neg3A : f32 to vector<16xf32>
      %neg3A_508 = arith.subf %neg3A_507, %mul3A_503 : vector<16xf32>
      %neg3A_509 = arith.constant 0.000000e+00 : f32
      %neg3A_510 = vector.broadcast %neg3A_509 : f32 to vector<16xf32>
      %neg3A_511 = arith.subf %neg3A_510, %mul3A_506 : vector<16xf32>
      %gt3A = arith.constant 5.000000e-01 : f32
      %gt3A_512 = vector.broadcast %gt3A : f32 to vector<16xf32>
      %gt3A_513 = arith.cmpf ogt, %gather3A_487, %gt3A_512 : vector<16xf32>
      %gt3A_514 = arith.constant 0.000000e+00 : f32
      %gt3A_515 = vector.broadcast %gt3A_514 : f32 to vector<16xf32>
      %gt3A_516 = arith.cmpf ogt, %gather3A_487, %gt3A_515 : vector<16xf32>
      %and3A_517 = arith.andi %gt3A_513, %gt3A_516 : vector<16xi1>
      %lt3A = arith.constant 8.000000e+01 : f32
      %lt3A_518 = vector.broadcast %lt3A : f32 to vector<16xf32>
      %lt3A_519 = arith.cmpf olt, %gather3A_487, %lt3A_518 : vector<16xf32>
      %and3A_520 = arith.andi %and3A_517, %lt3A_519 : vector<16xi1>
      %gt3A_521 = arith.constant -4.000000e+01 : f32
      %gt3A_522 = vector.broadcast %gt3A_521 : f32 to vector<16xf32>
      %gt3A_523 = arith.cmpf ogt, %neg3A_508, %gt3A_522 : vector<16xf32>
      %and3A_524 = arith.andi %and3A_520, %gt3A_523 : vector<16xi1>
      %lt3A_525 = arith.constant 4.000000e+01 : f32
      %lt3A_526 = vector.broadcast %lt3A_525 : f32 to vector<16xf32>
      %lt3A_527 = arith.cmpf olt, %neg3A_508, %lt3A_526 : vector<16xf32>
      %and3A_528 = arith.andi %and3A_524, %lt3A_527 : vector<16xi1>
      %jit3A_529 = arith.constant 1.000000e+00 : f32
      %jit3A_530 = arith.constant 0.000000e+00 : f32
      %broadcast_in_dim3A = vector.broadcast %jit3A_529 : f32 to vector<16xf32>
      %broadcast_in_dim3A_531 = vector.broadcast %jit3A_530 : f32 to vector<16xf32>
      %select_n3A_532 = arith.select %and3A_528, %broadcast_in_dim3A, %broadcast_in_dim3A_531 : vector<16xi1>, vector<16xf32>
      %mul3A_533 = arith.mulf %gather3A_487, %select_n3A_532 : vector<16xf32>
      %swap3A_534 = arith.index_cast %mul3A_458 : i32 to index
      %swap3A_535 = tpu.vector_load %arg13[%swap3A_534] {strides = array<i32>} : memref<4800xf32, #tpu.memory_space<vmem>>, vector<16xf32>,
      tpu.vector_store %arg13[%swap3A_534], %mul3A_533 {strides = array<i32>} : memref<4800xf32, #tpu.memory_space<vmem>>, vector<16xf32>,
      %mul3A_536 = arith.mulf %neg3A_508, %select_n3A_532 : vector<16xf32>
      %add3A_537 = arith.constant 800 : i32
      %add3A_538 = arith.addi %add3A_537, %mul3A_458 : i32
      %swap3A_539 = arith.index_cast %add3A_538 : i32 to index
      %swap3A_540 = tpu.vector_load %arg13[%swap3A_539] {strides = array<i32>} : memref<4800xf32, #tpu.memory_space<vmem>>, vector<16xf32>,
      tpu.vector_store %arg13[%swap3A_539], %mul3A_536 {strides = array<i32>} : memref<4800xf32, #tpu.memory_space<vmem>>, vector<16xf32>,
      %mul3A_541 = arith.mulf %neg3A_511, %select_n3A_532 : vector<16xf32>
      %add3A_542 = arith.constant 1600 : i32
      %add3A_543 = arith.addi %add3A_542, %mul3A_458 : i32
      %swap3A_544 = arith.index_cast %add3A_543 : i32 to index
      %swap3A_545 = tpu.vector_load %arg13[%swap3A_544] {strides = array<i32>} : memref<4800xf32, #tpu.memory_space<vmem>>, vector<16xf32>,
      tpu.vector_store %arg13[%swap3A_544], %mul3A_541 {strides = array<i32>} : memref<4800xf32, #tpu.memory_space<vmem>>, vector<16xf32>,
      %broadcast_in_dim3A_546 = arith.constant 0.000000e+00 : f32
      %broadcast_in_dim3A_547 = vector.broadcast %broadcast_in_dim3A_546 : f32 to vector<16xf32>
      %add3A_548 = arith.constant 2400 : i32
      %add3A_549 = arith.addi %add3A_548, %mul3A_458 : i32
      %swap3A_550 = arith.index_cast %add3A_549 : i32 to index
      %swap3A_551 = tpu.vector_load %arg13[%swap3A_550] {strides = array<i32>} : memref<4800xf32, #tpu.memory_space<vmem>>, vector<16xf32>,
      tpu.vector_store %arg13[%swap3A_550], %broadcast_in_dim3A_547 {strides = array<i32>} : memref<4800xf32, #tpu.memory_space<vmem>>, vector<16xf32>,
      %mul3A_552 = arith.constant 1.000000e+01 : f32
      %mul3A_553 = vector.broadcast %mul3A_552 : f32 to vector<16xf32>
      %mul3A_554 = arith.mulf %mul3A_553, %select_n3A_532 : vector<16xf32>
      %add3A_555 = arith.constant 3200 : i32
      %add3A_556 = arith.addi %add3A_555, %mul3A_458 : i32
      %swap3A_557 = arith.index_cast %add3A_556 : i32 to index
      %swap3A_558 = tpu.vector_load %arg13[%swap3A_557] {strides = array<i32>} : memref<4800xf32, #tpu.memory_space<vmem>>, vector<16xf32>,
      tpu.vector_store %arg13[%swap3A_557], %mul3A_554 {strides = array<i32>} : memref<4800xf32, #tpu.memory_space<vmem>>, vector<16xf32>,
      %mul3A_559 = arith.mulf %min3A_500, %select_n3A_532 : vector<16xf32>
      %add3A_560 = arith.constant 4000 : i32
      %add3A_561 = arith.addi %add3A_560, %mul3A_458 : i32
      %swap3A_562 = arith.index_cast %add3A_561 : i32 to index
      %swap3A_563 = tpu.vector_load %arg13[%swap3A_562] {strides = array<i32>} : memref<4800xf32, #tpu.memory_space<vmem>>, vector<16xf32>,
      tpu.vector_store %arg13[%swap3A_562], %mul3A_559 {strides = array<i32>} : memref<4800xf32, #tpu.memory_space<vmem>>, vector<16xf32>,
    }
    %scan3A_371 = arith.constant 25 : i32
    %mul3A_372 = arith.constant 800 : i32
    %mul3A_373 = arith.muli %add3A, %mul3A_372 : i32
    %add3A_374 = arith.constant 0 : i32
    %add3A_375 = arith.addi %add3A_374, %mul3A_373 : i32
    %dma_start3A_376 = arith.constant 0 : i32
    %dma_start3A_377 = tpu.memref_slice %arg13[%dma_start3A_376] : memref<4800xf32, #tpu.memory_space<vmem>> -> memref<800xf32, #tpu.memory_space<vmem>>
    %dma_start3A_378 = tpu.memref_slice %arg6[%add3A_375] : memref<128000xf32, #tpu.memory_space<hbm>> -> memref<800xf32, #tpu.memory_space<hbm>>
    %dma_start3A_379 = tpu.memref_slice %arg6[%add3A_375] : memref<128000xf32, #tpu.memory_space<hbm>> -> memref<800xf32, #tpu.memory_space<hbm>>
    %dma_start3A_380 = arith.constant 0 : i32
    %dma_start3A_381 = tpu.memref_slice %arg13[%dma_start3A_380] : memref<4800xf32, #tpu.memory_space<vmem>> -> memref<800xf32, #tpu.memory_space<vmem>>
    tpu.enqueue_dma source(%dma_start3A_381 : memref<800xf32, #tpu.memory_space<vmem>>) target(%dma_start3A_379 : memref<800xf32, #tpu.memory_space<hbm>>) target_semaphore(%arg15 : memref<!tpu.dma_semaphore, #tpu.memory_space<semaphore_mem>>)
    %add3A_382 = arith.constant 25600 : i32
    %add3A_383 = arith.addi %add3A_382, %mul3A_373 : i32
    %dma_start3A_384 = arith.constant 800 : i32
    %dma_start3A_385 = tpu.memref_slice %arg13[%dma_start3A_384] : memref<4800xf32, #tpu.memory_space<vmem>> -> memref<800xf32, #tpu.memory_space<vmem>>
    %dma_start3A_386 = tpu.memref_slice %arg6[%add3A_383] : memref<128000xf32, #tpu.memory_space<hbm>> -> memref<800xf32, #tpu.memory_space<hbm>>
    %dma_start3A_387 = tpu.memref_slice %arg6[%add3A_383] : memref<128000xf32, #tpu.memory_space<hbm>> -> memref<800xf32, #tpu.memory_space<hbm>>
    %dma_start3A_388 = arith.constant 800 : i32
    %dma_start3A_389 = tpu.memref_slice %arg13[%dma_start3A_388] : memref<4800xf32, #tpu.memory_space<vmem>> -> memref<800xf32, #tpu.memory_space<vmem>>
    tpu.enqueue_dma source(%dma_start3A_389 : memref<800xf32, #tpu.memory_space<vmem>>) target(%dma_start3A_387 : memref<800xf32, #tpu.memory_space<hbm>>) target_semaphore(%arg15 : memref<!tpu.dma_semaphore, #tpu.memory_space<semaphore_mem>>)
    %add3A_390 = arith.constant 51200 : i32
    %add3A_391 = arith.addi %add3A_390, %mul3A_373 : i32
    %dma_start3A_392 = arith.constant 1600 : i32
    %dma_start3A_393 = tpu.memref_slice %arg13[%dma_start3A_392] : memref<4800xf32, #tpu.memory_space<vmem>> -> memref<800xf32, #tpu.memory_space<vmem>>
    %dma_start3A_394 = tpu.memref_slice %arg6[%add3A_391] : memref<128000xf32, #tpu.memory_space<hbm>> -> memref<800xf32, #tpu.memory_space<hbm>>
    %dma_start3A_395 = tpu.memref_slice %arg6[%add3A_391] : memref<128000xf32, #tpu.memory_space<hbm>> -> memref<800xf32, #tpu.memory_space<hbm>>
    %dma_start3A_396 = arith.constant 1600 : i32
    %dma_start3A_397 = tpu.memref_slice %arg13[%dma_start3A_396] : memref<4800xf32, #tpu.memory_space<vmem>> -> memref<800xf32, #tpu.memory_space<vmem>>
    tpu.enqueue_dma source(%dma_start3A_397 : memref<800xf32, #tpu.memory_space<vmem>>) target(%dma_start3A_395 : memref<800xf32, #tpu.memory_space<hbm>>) target_semaphore(%arg15 : memref<!tpu.dma_semaphore, #tpu.memory_space<semaphore_mem>>)
    %add3A_398 = arith.constant 76800 : i32
    %add3A_399 = arith.addi %add3A_398, %mul3A_373 : i32
    %dma_start3A_400 = arith.constant 2400 : i32
    %dma_start3A_401 = tpu.memref_slice %arg13[%dma_start3A_400] : memref<4800xf32, #tpu.memory_space<vmem>> -> memref<800xf32, #tpu.memory_space<vmem>>
    %dma_start3A_402 = tpu.memref_slice %arg6[%add3A_399] : memref<128000xf32, #tpu.memory_space<hbm>> -> memref<800xf32, #tpu.memory_space<hbm>>
    %dma_start3A_403 = tpu.memref_slice %arg6[%add3A_399] : memref<128000xf32, #tpu.memory_space<hbm>> -> memref<800xf32, #tpu.memory_space<hbm>>
    %dma_start3A_404 = arith.constant 2400 : i32
    %dma_start3A_405 = tpu.memref_slice %arg13[%dma_start3A_404] : memref<4800xf32, #tpu.memory_space<vmem>> -> memref<800xf32, #tpu.memory_space<vmem>>
    tpu.enqueue_dma source(%dma_start3A_405 : memref<800xf32, #tpu.memory_space<vmem>>) target(%dma_start3A_403 : memref<800xf32, #tpu.memory_space<hbm>>) target_semaphore(%arg15 : memref<!tpu.dma_semaphore, #tpu.memory_space<semaphore_mem>>)
    %add3A_406 = arith.constant 102400 : i32
    %add3A_407 = arith.addi %add3A_406, %mul3A_373 : i32
    %dma_start3A_408 = arith.constant 3200 : i32
    %dma_start3A_409 = tpu.memref_slice %arg13[%dma_start3A_408] : memref<4800xf32, #tpu.memory_space<vmem>> -> memref<800xf32, #tpu.memory_space<vmem>>
    %dma_start3A_410 = tpu.memref_slice %arg6[%add3A_407] : memref<128000xf32, #tpu.memory_space<hbm>> -> memref<800xf32, #tpu.memory_space<hbm>>
    %dma_start3A_411 = tpu.memref_slice %arg6[%add3A_407] : memref<128000xf32, #tpu.memory_space<hbm>> -> memref<800xf32, #tpu.memory_space<hbm>>
    %dma_start3A_412 = arith.constant 3200 : i32
    %dma_start3A_413 = tpu.memref_slice %arg13[%dma_start3A_412] : memref<4800xf32, #tpu.memory_space<vmem>> -> memref<800xf32, #tpu.memory_space<vmem>>
    tpu.enqueue_dma source(%dma_start3A_413 : memref<800xf32, #tpu.memory_space<vmem>>) target(%dma_start3A_411 : memref<800xf32, #tpu.memory_space<hbm>>) target_semaphore(%arg15 : memref<!tpu.dma_semaphore, #tpu.memory_space<semaphore_mem>>)
    %dma_start3A_414 = arith.constant 4000 : i32
    %dma_start3A_415 = tpu.memref_slice %arg13[%dma_start3A_414] : memref<4800xf32, #tpu.memory_space<vmem>> -> memref<800xf32, #tpu.memory_space<vmem>>
    %dma_start3A_416 = tpu.memref_slice %arg7[%mul3A_373] : memref<25600xf32, #tpu.memory_space<hbm>> -> memref<800xf32, #tpu.memory_space<hbm>>
    %dma_start3A_417 = tpu.memref_slice %arg7[%mul3A_373] : memref<25600xf32, #tpu.memory_space<hbm>> -> memref<800xf32, #tpu.memory_space<hbm>>
    %dma_start3A_418 = arith.constant 4000 : i32
    %dma_start3A_419 = tpu.memref_slice %arg13[%dma_start3A_418] : memref<4800xf32, #tpu.memory_space<vmem>> -> memref<800xf32, #tpu.memory_space<vmem>>
    tpu.enqueue_dma source(%dma_start3A_419 : memref<800xf32, #tpu.memory_space<vmem>>) target(%dma_start3A_417 : memref<800xf32, #tpu.memory_space<hbm>>) target_semaphore(%arg15 : memref<!tpu.dma_semaphore, #tpu.memory_space<semaphore_mem>>)
    %dma_wait3A_420 = arith.constant 0 : i32
    %dma_wait3A_421 = tpu.memref_slice %arg13[%dma_wait3A_420] : memref<4800xf32, #tpu.memory_space<vmem>> -> memref<800xf32, #tpu.memory_space<vmem>>
    %dma_wait3A_422 = tpu.memref_slice %arg6[%add3A_375] : memref<128000xf32, #tpu.memory_space<hbm>> -> memref<800xf32, #tpu.memory_space<hbm>>
    %dma_wait3A_423 = tpu.memref_slice %arg6[%add3A_375] : memref<128000xf32, #tpu.memory_space<hbm>> -> memref<800xf32, #tpu.memory_space<hbm>>
    %dma_wait3A_424 = arith.constant 0 : i32
    %dma_wait3A_425 = tpu.memref_slice %arg13[%dma_wait3A_424] : memref<4800xf32, #tpu.memory_space<vmem>> -> memref<800xf32, #tpu.memory_space<vmem>>
    tpu.wait_dma2 semaphore(%arg15 : memref<!tpu.dma_semaphore, #tpu.memory_space<semaphore_mem>>) src(%dma_wait3A_425 : memref<800xf32, #tpu.memory_space<vmem>>) dst(%dma_wait3A_423 : memref<800xf32, #tpu.memory_space<hbm>>)
    %dma_wait3A_426 = arith.constant 800 : i32
    %dma_wait3A_427 = tpu.memref_slice %arg13[%dma_wait3A_426] : memref<4800xf32, #tpu.memory_space<vmem>> -> memref<800xf32, #tpu.memory_space<vmem>>
    %dma_wait3A_428 = tpu.memref_slice %arg6[%add3A_383] : memref<128000xf32, #tpu.memory_space<hbm>> -> memref<800xf32, #tpu.memory_space<hbm>>
    %dma_wait3A_429 = tpu.memref_slice %arg6[%add3A_383] : memref<128000xf32, #tpu.memory_space<hbm>> -> memref<800xf32, #tpu.memory_space<hbm>>
    %dma_wait3A_430 = arith.constant 800 : i32
    %dma_wait3A_431 = tpu.memref_slice %arg13[%dma_wait3A_430] : memref<4800xf32, #tpu.memory_space<vmem>> -> memref<800xf32, #tpu.memory_space<vmem>>
    tpu.wait_dma2 semaphore(%arg15 : memref<!tpu.dma_semaphore, #tpu.memory_space<semaphore_mem>>) src(%dma_wait3A_431 : memref<800xf32, #tpu.memory_space<vmem>>) dst(%dma_wait3A_429 : memref<800xf32, #tpu.memory_space<hbm>>)
    %dma_wait3A_432 = arith.constant 1600 : i32
    %dma_wait3A_433 = tpu.memref_slice %arg13[%dma_wait3A_432] : memref<4800xf32, #tpu.memory_space<vmem>> -> memref<800xf32, #tpu.memory_space<vmem>>
    %dma_wait3A_434 = tpu.memref_slice %arg6[%add3A_391] : memref<128000xf32, #tpu.memory_space<hbm>> -> memref<800xf32, #tpu.memory_space<hbm>>
    %dma_wait3A_435 = tpu.memref_slice %arg6[%add3A_391] : memref<128000xf32, #tpu.memory_space<hbm>> -> memref<800xf32, #tpu.memory_space<hbm>>
    %dma_wait3A_436 = arith.constant 1600 : i32
    %dma_wait3A_437 = tpu.memref_slice %arg13[%dma_wait3A_436] : memref<4800xf32, #tpu.memory_space<vmem>> -> memref<800xf32, #tpu.memory_space<vmem>>
    tpu.wait_dma2 semaphore(%arg15 : memref<!tpu.dma_semaphore, #tpu.memory_space<semaphore_mem>>) src(%dma_wait3A_437 : memref<800xf32, #tpu.memory_space<vmem>>) dst(%dma_wait3A_435 : memref<800xf32, #tpu.memory_space<hbm>>)
    %dma_wait3A_438 = arith.constant 2400 : i32
    %dma_wait3A_439 = tpu.memref_slice %arg13[%dma_wait3A_438] : memref<4800xf32, #tpu.memory_space<vmem>> -> memref<800xf32, #tpu.memory_space<vmem>>
    %dma_wait3A_440 = tpu.memref_slice %arg6[%add3A_399] : memref<128000xf32, #tpu.memory_space<hbm>> -> memref<800xf32, #tpu.memory_space<hbm>>
    %dma_wait3A_441 = tpu.memref_slice %arg6[%add3A_399] : memref<128000xf32, #tpu.memory_space<hbm>> -> memref<800xf32, #tpu.memory_space<hbm>>
    %dma_wait3A_442 = arith.constant 2400 : i32
    %dma_wait3A_443 = tpu.memref_slice %arg13[%dma_wait3A_442] : memref<4800xf32, #tpu.memory_space<vmem>> -> memref<800xf32, #tpu.memory_space<vmem>>
    tpu.wait_dma2 semaphore(%arg15 : memref<!tpu.dma_semaphore, #tpu.memory_space<semaphore_mem>>) src(%dma_wait3A_443 : memref<800xf32, #tpu.memory_space<vmem>>) dst(%dma_wait3A_441 : memref<800xf32, #tpu.memory_space<hbm>>)
    %dma_wait3A_444 = arith.constant 3200 : i32
    %dma_wait3A_445 = tpu.memref_slice %arg13[%dma_wait3A_444] : memref<4800xf32, #tpu.memory_space<vmem>> -> memref<800xf32, #tpu.memory_space<vmem>>
    %dma_wait3A_446 = tpu.memref_slice %arg6[%add3A_407] : memref<128000xf32, #tpu.memory_space<hbm>> -> memref<800xf32, #tpu.memory_space<hbm>>
    %dma_wait3A_447 = tpu.memref_slice %arg6[%add3A_407] : memref<128000xf32, #tpu.memory_space<hbm>> -> memref<800xf32, #tpu.memory_space<hbm>>
    %dma_wait3A_448 = arith.constant 3200 : i32
    %dma_wait3A_449 = tpu.memref_slice %arg13[%dma_wait3A_448] : memref<4800xf32, #tpu.memory_space<vmem>> -> memref<800xf32, #tpu.memory_space<vmem>>
    tpu.wait_dma2 semaphore(%arg15 : memref<!tpu.dma_semaphore, #tpu.memory_space<semaphore_mem>>) src(%dma_wait3A_449 : memref<800xf32, #tpu.memory_space<vmem>>) dst(%dma_wait3A_447 : memref<800xf32, #tpu.memory_space<hbm>>)
    %dma_wait3A_450 = arith.constant 4000 : i32
    %dma_wait3A_451 = tpu.memref_slice %arg13[%dma_wait3A_450] : memref<4800xf32, #tpu.memory_space<vmem>> -> memref<800xf32, #tpu.memory_space<vmem>>
    %dma_wait3A_452 = tpu.memref_slice %arg7[%mul3A_373] : memref<25600xf32, #tpu.memory_space<hbm>> -> memref<800xf32, #tpu.memory_space<hbm>>
    %dma_wait3A_453 = tpu.memref_slice %arg7[%mul3A_373] : memref<25600xf32, #tpu.memory_space<hbm>> -> memref<800xf32, #tpu.memory_space<hbm>>
    %dma_wait3A_454 = arith.constant 4000 : i32
    %dma_wait3A_455 = tpu.memref_slice %arg13[%dma_wait3A_454] : memref<4800xf32, #tpu.memory_space<vmem>> -> memref<800xf32, #tpu.memory_space<vmem>>
    tpu.wait_dma2 semaphore(%arg15 : memref<!tpu.dma_semaphore, #tpu.memory_space<semaphore_mem>>) src(%dma_wait3A_455 : memref<800xf32, #tpu.memory_space<vmem>>) dst(%dma_wait3A_453 : memref<800xf32, #tpu.memory_space<hbm>>)
    return
  }
}

</mosaic_0001>

<sc_bundles>
// kernel: kernel.3.cloned.1.call-start
scs
__scs_entry_jumppad:
0x0: {  	(pc) =	sbr.rel $0x88, $3  }
0x1: {  	(tag) =	ssettag $0x0;
	lr =	simm.s32 $0x1  }
0x2: {  	[smem:$0x3F9D] =	sst lr;
	_ =	strace $0xD0000000  }
0x3: {  	_ = 	snop  }
0x4: {  	_ = 	snop  }
0x5: {  	_ = 	snop  }
0x6: {  	_ = 	snop  }
0x7: {  	_ = 	snop  }
__scs_overlays_trampoline_lowered:
0x8: {  	[smem:$0x3FAC] =	sst s0  }
0x9: {  	[smem:$0x3FAD] =	sst s1  }
0xa: {  	[smem:$0x3FAE] =	sst s2  }
0xb: {  	[smem:$0x3FAF] =	sst s3  }
0xc: {  	[smem:$0x3FB0] =	sst s4  }
0xd: {  	[smem:$0x3FB1] =	sst s5  }
0xe: {  	[smem:$0x3FB2] =	sst s6  }
0xf: {  	[smem:$0x3FB3] =	sst s7  }
0x10: {  	[smem:$0x3FB4] =	sst s8  }
0x11: {  	[smem:$0x3FB5] =	sst s9;
	s0 =	simm.s32 @!p0 $0x0  }
0x12: {  	s1 =	sld [smem:$0x3F9B];
	s0 =	simm.s32 @p0 $0x1  }
0x13: {  	[smem:$0x3FB6] =	sst s0;
	s0 =	simm.s32 @!p1 $0x0  }
0x14: {  	s2 =	sld [smem:$0x3F9A];
	s0 =	simm.s32 @p1 $0x1  }
0x15: {  	[smem:$0x3FB7] =	sst s0;
	s0 =	simm.s32 @!p2 $0x0  }
0x16: {  	s3 =	sld [smem:$0x3FDB];
	s0 =	simm.s32 @p2 $0x1  }
0x17: {  	s4 =	simm.s32 $0x1BF5;
	[smem:$0x3FB9] =	sst s0  }
0x18: {  	s0 =	sld [smem:$0x3F9C];
	_ =	swait.ge [sflag:s4], $0x0  }
0x19: {  	s7 =	sld [smem:$0x3F9D]  }
0x1a: {  	s8 =	sadd.s32 $0xFFFFE003, lr  }
0x1b: {  	s9 =	sadd.s32 $0xFFFFFEF7, lr;
	s5 =	simm.s32 $0xFFFFFFFF;
	p2 =	slt.u32 s8, $0xFFFFF086  }
0x1c: {  	p1 =	slt.u32 s9, $0xF7A;
	s5 =	simm.s32 @!p2 $0x0  }
0x1d: {  	s5 =	simm.s32 @p1 $0x1;
	p0 =	seq.s32 s7, s2  }
0x1e: {  	s7 =	smul.u32 @!p0 $0xF7A, s2;
	p2 =	seq.s32 @!p0 s5, $0x0  }
0x1f: {  	s9 =	smul.u32 $0xF7A, s1;
	s8 =	simm.s32 @!p0 $0x1BF5;
	p2 =	por !p2, p0  }
0x20: {  	[sflag:s8] =	ssyncset.s32 @!p0 $0xFFFFF086;
	s6 =	sadd.s32 @!p0 s3, s7;
	s7 =	simm.s32 @!p0 $0x108  }
0x21: {  	s3 =	sadd.s32 s3, s9;
	s6 =	sadd.s32 @!p0 $0x88, s6;
	s7 =	simm.s32 @p2 $0x1082  }
0x22: {  	[simem:s7], [sflag:s8] =	dma.local @!p0 [hbm:s6], $0xF7A  }
0x23: {  	s9 =	sor.u32 $0xD0000000, s2;
	s6 =	simm.s32 $0x108;
	_ =	swait.ge @!p0 [sflag:s8], $0x0  }
0x24: {  	s3 =	sadd.s32 $0x88, s3;
	s6 =	simm.s32 @!p1 $0x1082;
	[sflag:s4] =	ssyncset.s32 $0xFFFFF086  }
0x25: {  	[simem:s6], [sflag:s4] =	dma.local [hbm:s3], $0xF7A  }
0x26: {  	[smem:$0x3F9D] =	sst s1;
	(tag) =	ssettag s2;
	_ =	strace s9  }
0x27: {  	s1 =	sld [smem:$0x3FAD]  }
0x28: {  	s2 =	sld [smem:$0x3FAE]  }
0x29: {  	s4 =	sld [smem:$0x3FB0]  }
0x2a: {  	p0 =	seq.s32 s5, $0x0;
	s5 =	sld [smem:$0x3FB1]  }
0x2b: {  	s6 =	sld [smem:$0x3FB2]  }
0x2c: {  	s7 =	sld [smem:$0x3FB3]  }
0x2d: {  	s3 =	simm.s32 $0x108;
	s8 =	sld [smem:$0x3FB4]  }
0x2e: {  	s3 =	simm.s32 @!p0 $0x1082;
	s9 =	sld [smem:$0x3FB5]  }
0x2f: {  	lr =	sadd.s32 s0, s3;
	s0 =	sld [smem:$0x3FAC]  }
0x30: {  	s3 =	sld [smem:$0x3FAF]  }
0x31: {  	[smem:$0x3FB8] =	sst s10  }
0x32: {  	s10 =	sld [smem:$0x3FB6];
	_ =	sdelay $0x3  }
0x33: {  	p0 =	seq.s32 s10, $0x1;
	s10 =	sld [smem:$0x3FB8];
	_ =	sdelay $0x3  }
0x34: {  	[smem:$0x3FB8] =	sst s10  }
0x35: {  	s10 =	sld [smem:$0x3FB7];
	_ =	sdelay $0x3  }
0x36: {  	p1 =	seq.s32 s10, $0x1;
	s10 =	sld [smem:$0x3FB8];
	_ =	sdelay $0x3  }
0x37: {  	[smem:$0x3FB8] =	sst s10  }
0x38: {  	s10 =	sld [smem:$0x3FB9]  }
0x39: {  	_ = 	snop;
	(pc) =	sbr.ind lr, $3  }
0x3a: {  	_ = 	snop  }
0x3b: {  	_ = 	snop  }
0x3c: {  	p2 =	seq.s32 s10, $0x1;
	s10 =	sld [smem:$0x3FB8]  }
0x3d: {  	_ =	shalt  }
0x3e: {  	_ =	shalt  }
0x3f: {  	_ =	shalt  }
0x40: {  	_ =	shalt  }
0x41: {  	_ =	shalt  }
0x42: {  	_ =	shalt  }
0x43: {  	_ =	shalt  }
0x44: {  	_ =	shalt  }
0x45: {  	_ =	shalt  }
0x46: {  	_ =	shalt  }
0x47: {  	_ =	shalt  }
0x48: {  	_ =	shalt  }
0x49: {  	_ =	shalt  }
0x4a: {  	_ =	shalt  }
0x4b: {  	_ =	shalt  }
0x4c: {  	_ =	shalt  }
0x4d: {  	_ =	shalt  }
0x4e: {  	_ =	shalt  }
0x4f: {  	_ =	shalt  }
0x50: {  	_ =	shalt  }
0x51: {  	_ =	shalt  }
0x52: {  	_ =	shalt  }
0x53: {  	_ =	shalt  }
0x54: {  	_ =	shalt  }
0x55: {  	_ =	shalt  }
0x56: {  	_ =	shalt  }
0x57: {  	_ =	shalt  }
0x58: {  	_ =	shalt  }
0x59: {  	_ =	shalt  }
0x5a: {  	_ =	shalt  }
0x5b: {  	_ =	shalt  }
0x5c: {  	_ =	shalt  }
0x5d: {  	_ =	shalt  }
0x5e: {  	_ =	shalt  }
0x5f: {  	_ =	shalt  }
0x60: {  	_ =	shalt  }
0x61: {  	_ =	shalt  }
0x62: {  	_ =	shalt  }
0x63: {  	_ =	shalt  }
0x64: {  	_ =	shalt  }
0x65: {  	_ =	shalt  }
0x66: {  	_ =	shalt  }
0x67: {  	_ =	shalt  }
0x68: {  	_ =	shalt  }
0x69: {  	_ =	shalt  }
0x6a: {  	_ =	shalt  }
0x6b: {  	_ =	shalt  }
0x6c: {  	_ =	shalt  }
0x6d: {  	_ =	shalt  }
0x6e: {  	_ =	shalt  }
0x6f: {  	_ =	shalt  }
0x70: {  	_ =	shalt  }
0x71: {  	_ =	shalt  }
0x72: {  	_ =	shalt  }
0x73: {  	_ =	shalt  }
0x74: {  	_ =	shalt  }
0x75: {  	_ =	shalt  }
0x76: {  	_ =	shalt  }
0x77: {  	_ =	shalt  }
0x78: {  	_ =	shalt  }
0x79: {  	_ =	shalt  }
0x7a: {  	_ =	shalt  }
0x7b: {  	_ =	shalt  }
0x7c: {  	_ =	shalt  }
0x7d: {  	_ =	shalt  }
0x7e: {  	_ =	shalt  }
0x7f: {  	_ =	shalt  }
0x80: {  	_ =	shalt  }
0x81: {  	_ =	shalt  }
0x82: {  	_ =	shalt  }
0x83: {  	_ =	shalt  }
0x84: {  	_ =	shalt  }
0x85: {  	_ =	shalt  }
0x86: {  	_ =	shalt  }
0x87: {  	_ =	shalt  }
.Lfunc_end0:
.L_simem_size_0:
called_computation_lowered:
.L_overlay_start_0:
0x88: {  	s2 =	sld [smem:$0x3FD9]  }
0x89: {  	s3 =	sld [smem:$0x3FFE];
	_ =	sdelay $0x1  }
0x8a: {  	s1 =	srdreg.scid  }
0x8b: {  	s0 =	sand.u32 $0x1, s1  }
0x8c: {  	s14 =	sshll.u32 s0, $0xA;
	s2 =	sadd.s32 s3, s2  }
0x8d: {  	s2 =	sadd.s32 s2, s14  }
0x8e: {  	[smem:$0x3FC4] =	sst s2  }
0x8f: {  	_ = 	snop  }
0x90: {  	s2 =	sld [smem:$0x3FD0];
	_ =	sdelay $0x1  }
0x91: {  	s15 =	sld [smem:$0x3FC9]  }
0x92: {  	s5 =	simm.s32 $0xA;
	s6 =	simm.s32 $0x10;
	s4 =	sld [smem:$0x3FC8]  }
0x93: {  	[smem:s6], [sflag:s5] =	dma.local [hbm:s2], $0x1  }
0x94: {  	_ =	swait.eq [sflag:s5], $0x1  }
0x95: {  	[sflag:s5] =	ssyncset.done $0x0  }
0x96: {  	s16 =	sld [smem:$0x10];
	[sflag:s5] =	ssyncadd.s32 $0xFFFFFFFF  }
0x97: {  	s17 =	sld [smem:$0x11];
	(tm) =	ssettm $0x1  }
0x98: {  	s18 =	sld [smem:$0x3FFB];
	_ =	sdelay $0x3  }
0x99: {  	_ =	strace s18  }
0x9a: {  	s6 =	sld [smem:$0x3FFC];
	_ =	sdelay $0x3  }
0x9b: {  	_ =	strace s6  }
0x9c: {  	s6 =	sld [smem:$0x3FFD];
	_ =	sdelay $0x3  }
0x9d: {  	_ =	strace s6  }
0x9e: {  	_ =	strace $0x8FFFFFFF  }
0x9f: {  	s19 =	sld [smem:$0x3FDB];
	_ =	sdelay $0x1  }
0xa0: {  	s7 =	simm.s32 $_scs_section_size  }
0xa1: {  	s8 =	simm.s32 $_size__tile_overlayer_lowered;
	s9 =	simm.s32 $_tile_overlayer_lowered  }
0xa2: {  	s22 =	simm.s32 $0x1BFF;
	s21 =	sshll.u32 s9, $0x1;
	s6 =	sadd.s32 s7, s19  }
0xa3: {  	s10 =	simm.s32 $0x0;
	s20 =	sshll.u32 s8, $0x1;
	s8 =	sadd.s32 s21, s6  }
0xa4: {  	[timem:s10], [sflag:s22] =	dma.local [hbm:s8], s20  }
0xa5: {  	_ =	swait.ge [sflag:s22], s20  }
0xa6: {  	s7 =	ssub.s32 $0x0, s20;
	[sflag:s22] =	ssyncset.done $0x0  }
0xa7: {  	[sflag:s22] =	ssyncadd.s32 s7;
	_ =	sdelay $0x1  }
0xa8: {  	s23 =	simm.s32 $0x1B8B  }
0xa9: {  	_ =	swait.ge [sflag:s23], $0x1  }
0xaa: {  	[sflag:s23] =	ssyncset.done $0x0  }
0xab: {  	s25 =	simm.s32 $0x1B8E;
	s24 =	sld [smem:$0x3FFE];
	[sflag:s23] =	ssyncadd.s32 $0xFFFFFFFF  }
0xac: {  	s26 =	simm.s32 $execute0_lowered;
	[smem:$0x3FD2] =	sst s25  }
0xad: {  	s8 =	sshll.u32 s26, $0x1;
	_ =	strace $0x80000046;
	[dreg:$0x1] =	wrdreg $0xFFFFFFFF  }
0xae: {  	s28 =	simm.s32 $_size_execute0_lowered;
	s6 =	sadd.s32 s6, s8;
	[dreg:$0x0] =	wrdreg $0x0  }
0xaf: {  	s8 =	sshll.u32 s28, $0x1;
	[dreg:$0x2] =	wrdreg s6  }
0xb0: {  	[dreg:$0x3] =	wrdreg s8  }
0xb1: {  	[dreg:$0x4] =	wrdreg $0xC0  }
0xb2: {  	_ =	task [dreg:s10], $0x5FFFF  }
0xb3: {  	[dreg:$0x1] =	wrdreg $0xFFFFFFFF  }
0xb4: {  	[dreg:$0x0] =	wrdreg $0x60  }
0xb5: {  	[dreg:$0x2] =	wrdreg s24  }
0xb6: {  	[dreg:$0x3] =	wrdreg s15  }
0xb7: {  	[dreg:$0x4] =	wrdreg s4  }
0xb8: {  	[dreg:$0x5] =	wrdreg s16  }
0xb9: {  	[dreg:$0x6] =	wrdreg s17  }
0xba: {  	[dreg:$0x7] =	wrdreg $0x9  }
0xbb: {  	_ =	task.clear_ibuf [dreg:s10], $0x8FFFF;
	_ =	strace $0x90000046  }
0xbc: {  	s29 =	simm.s32 $0x9;
	_ =	strace $0x80000048  }
0xbd: {  	_ =	swait.ge [sflag:s29], $0x1  }
0xbe: {  	[sflag:s29] =	ssyncadd.s32 $0xFFFFFFFF  }
0xbf: {  	_ =	strace $0x90000048  }
0xc0: {  	_ =	sfence  }
0xc1: {  	s30 =	sld [smem:$0x0];
	_ =	sdelay $0x2  }
0xc2: {  	s31 =	sshll.u32 s1, $0xD;
	s1 =	sshrl.u32 s1, $0x2  }
0xc3: {  	s3 =	sand.u32 $0x4000, s31;
	s1 =	sadd.s32 s1, s30  }
0xc4: {  	s0 =	sor.u32 s3, s0;
	s1 =	sshll.u32 s1, $0x11  }
0xc5: {  	s0 =	sor.u32 s1, s0  }
0xc6: {  	s0 =	sadd.s32 $0x8F2B, s0  }
0xc7: {  	[sflag:s0] =	ssyncadd.remote.s32 $0x1  }
0xc8: {  	_ =	sfence.sel $0xFFFF  }
0xc9: {  	[dreg:$0x0] =	wrdreg $0xFFFFFFFF;
	(pc) =	sbr.abs _section_cstart, $3  }
0xca: {  	[dreg:$0x1] =	wrdreg $0xFFFFFFFF  }
0xcb: {  	_ =	task.clear_ibuf [dreg:s10], $0x2FFFF;
	_ =	strace $0x9FFFFFFF  }
0xcc: {  	(tm) =	ssettm $0x7FFFFFFF  }
0xcd: {  	_ =	shalt  }
tec
execute0_lowered:
.L_overlay_start_1:
0x0: {  	(tag) =	ssettag $0x1  }
0x1: {  	s0 =	rddreg [dreg:$0x0]  }
0x2: {  	s1 =	rddreg [dreg:$0x1]  }
0x3: {  	s2 =	rddreg [dreg:$0x2];
	s3 =	srdreg.scid  }
0x4: {  	s8 =	stileid.u32;
	s4 =	rddreg [dreg:$0x4];
	s5 =	simm.s32 $0x0  }
0x5: {  	s19 =	simm.s32 $0x1;
	s20 =	simm.s32 $0xC00;
	s29 =	simm.s32 $0x13C00  }
0x6: {  	s30 =	simm.s32 $0x14400;
	s31 =	simm.s32 $0xB80;
	s17 =	simm.s32 $0x15240  }
0x7: {  	s18 =	simm.s32 $0x15560;
	s21 =	simm.s32 $0x15880;
	s22 =	simm.s32 $0x15BA0  }
0x8: {  	s23 =	simm.s32 $0x0;
	s3 =	sand.u32 $0x1, s3;
	s6 =	sshll.u32 s8, $0x1  }
0x9: {  	[smem:$0x7FF] =	sst s5;
	s8 =	sshll.u32 s8, $0x8;
	s9 =	sadd.s32 $0x100, s2  }
0xa: {  	s6 =	sor.u32 s3, s6;
	_ =	strace $0x80000047;
	s3 =	ssub.s32 $0x2, s3  }
0xb: {  	s28 =	sand.u32 $0xE00, s8;
	s7 =	smul.u32 $0x320, s6;
	s6 =	sshll.u32 s6, $0x2  }
0xc: {  	s8 =	sadd.s32 $0x100, s1;
	s26 =	sshrl.u32 s3, $0x1;
	s6 =	sadd.s32 s6, s0  }
0xd: {  	s3 =	ssub.s32 s3, s26;
	s15 =	sshrl.u32 s7, $0x3;
	s6 =	sadd.s32 $0x800, s6  }
0xe: {  	s7 =	sadd.s32 $0x880, s0;
	s16 =	smax.u32 s3, $0x1;
	s3 =	simm.s32 $0x2  }
0xf: {  	v3 =	vlaneseq.u32;
	vm0 =	vmmov $0xffff;
	s14 =	sadd.s32 s15, s0;
	s15 =	sadd.s32 s4, s15;
	s0 =	simm.s32 $0x14C00  }
0x10: {  	v4 =	vimm.f32 $0.0e+00;
	v1 =	vand.u32 $0x7, v3;
	v2 =	vshrl.u32 v3, $0x3;
	s4 =	simm.s32 $0x14F20;
	s10 =	sadd.s32 $0xA00, s14;
	s11 =	sadd.s32 $0x1680, s14  }
0x11: {  	v3 =	vor.u32 $0x8, v3;
	v2 =	vmul.u32 $0x8, v2;
	v0 =	vmov s28;
	s12 =	sadd.s32 $0x2300, s14;
	s13 =	sadd.s32 $0x2F80, s14;
	s14 =	sadd.s32 $0x3C00, s14  }
.LBB2_1:
0x12: {  	[tilespmem:s5], [sflag:$0x1] =	stream.linear.gather [hbm4b:s6+s5], $0x20, $0x38;
	[tilespmem:$0x15F00] =	vst v63  }
0x13: {  	s24 =	simm.s32 $0x20  }
0x14: {  	[tilespmem:s24], [sflag:$0x1] =	stream.linear.gather [hbm4b:s7+s5], $0x10, $0x38;
	[tilespmem:$0x15F00] =	vst v63  }
0x15: {  	s26 =	rddreg [dreg:$0x3];
	s25 =	simm.s32 $0x80  }
0x16: {  	[tilespmem:s25], [sflag:$0x1] =	stream.linear.gather [hbm4b:s26+s5], $0xA80, $0x38;
	[tilespmem:$0x15F00] =	vst v63  }
0x17: {  	_ =	swait.ge [sflag:s19], $0x20  }
0x18: {  	[sflag:s19] =	ssyncset.done $0x0  }
0x19: {  	[sflag:s19] =	ssyncadd.s32 $0xFFFFFFE0  }
0x1a: {  	_ =	swait.ge [sflag:s19], $0x10  }
0x1b: {  	[sflag:s19] =	ssyncset.done $0x0  }
0x1c: {  	[sflag:s19] =	ssyncadd.s32 $0xFFFFFFF0  }
0x1d: {  	_ =	swait.ge [sflag:s19], $0xA80  }
0x1e: {  	[sflag:s19] =	ssyncset.done $0x0  }
0x1f: {  	[sflag:s19] =	ssyncadd.s32 $0xFFFFF580  }
0x20: {  	v5 =	vld [tilespmem:$0xD0];
	_ =	sdelay $0x4  }
0x21: {  	v6 =	vadd.s32 $0x1, v5  }
0x22: {  	v5 =	vadd.s32 $0x3, v5;
	_ =	sdelay $0x3  }
0x23: {  	v6 =	vld.idx.msk [tilespmem:v6+s5+$0x0], $0xffff  }
0x24: {  	v5 =	vld.idx.msk [tilespmem:v5+s5+$0x0], $0xffff;
	_ =	sdelay $0x3  }
0x25: {  	v7 =	vld [tilespmem:$0x120]  }
0x26: {  	v6 =	vmax.f32 v6, $0.0e+00;
	v5 =	vmax.f32 v5, $0.0e+00  }
0x27: {  	v6 =	vmin.f32 v6, $5.110000000e+02;
	v5 =	vmin.f32 v5, $5.110000000e+02  }
0x28: {  	v5 =	vsub.f32 v5, v6;
	_ =	sdelay $0x1  }
0x29: {  	v5 =	vmul.f32 v5, v7;
	_ =	sdelay $0x1  }
0x2a: {  	v5 =	vadd.f32 v5, v6;
	v6 =	vld [tilespmem:$0xE0];
	_ =	sdelay $0x1  }
0x2b: {  	v7 =	vtrunc.f32 v5  }
0x2c: {  	v7 =	vcvt.f32.s32 v7;
	_ =	sdelay $0x1  }
0x2d: {  	vm1 =	vgt.s32 v7, $0x0;
	v8 =	vadd.s32 $0x1, v6  }
0x2e: {  	v6 =	vadd.s32 $0x3, v6;
	v7 =	vnsel vm1, $0x0, v7  }
0x2f: {  	v7 =	vmin.u32 v7, $0x1FF  }
0x30: {  	[tilespmem:$0xB80] =	vst v5;
	v5 =	vor.u32 v0, v7  }
0x31: {  	[tilespmem:$0xB00] =	vst v5  }
0x32: {  	v5 =	vld.idx.msk [tilespmem:v8+s5+$0x0], $0xffff  }
0x33: {  	v6 =	vld.idx.msk [tilespmem:v6+s5+$0x0], $0xffff;
	_ =	sdelay $0x3  }
0x34: {  	v7 =	vld [tilespmem:$0x130]  }
0x35: {  	v5 =	vmax.f32 v5, $0.0e+00;
	v6 =	vmax.f32 v6, $0.0e+00  }
0x36: {  	v5 =	vmin.f32 v5, $5.110000000e+02;
	v6 =	vmin.f32 v6, $5.110000000e+02  }
0x37: {  	v6 =	vsub.f32 v6, v5;
	_ =	sdelay $0x1  }
0x38: {  	v6 =	vmul.f32 v6, v7;
	_ =	sdelay $0x1  }
0x39: {  	v5 =	vadd.f32 v6, v5;
	v6 =	vld [tilespmem:$0xF0];
	_ =	sdelay $0x1  }
0x3a: {  	v7 =	vtrunc.f32 v5  }
0x3b: {  	v7 =	vcvt.f32.s32 v7;
	_ =	sdelay $0x1  }
0x3c: {  	vm1 =	vgt.s32 v7, $0x0;
	v8 =	vadd.s32 $0x1, v6  }
0x3d: {  	v6 =	vadd.s32 $0x3, v6;
	v7 =	vnsel vm1, $0x0, v7  }
0x3e: {  	v7 =	vmin.u32 v7, $0x1FF  }
0x3f: {  	[tilespmem:$0xB90] =	vst v5;
	v5 =	vor.u32 v0, v7  }
0x40: {  	[tilespmem:$0xB10] =	vst v5  }
0x41: {  	v5 =	vld.idx.msk [tilespmem:v8+s5+$0x0], $0xffff  }
0x42: {  	v6 =	vld.idx.msk [tilespmem:v6+s5+$0x0], $0xffff;
	_ =	sdelay $0x3  }
0x43: {  	v7 =	vld [tilespmem:$0x140]  }
0x44: {  	v5 =	vmax.f32 v5, $0.0e+00;
	v6 =	vmax.f32 v6, $0.0e+00  }
0x45: {  	v5 =	vmin.f32 v5, $5.110000000e+02;
	v6 =	vmin.f32 v6, $5.110000000e+02  }
0x46: {  	v6 =	vsub.f32 v6, v5;
	_ =	sdelay $0x1  }
0x47: {  	v6 =	vmul.f32 v6, v7;
	_ =	sdelay $0x1  }
0x48: {  	v5 =	vadd.f32 v6, v5;
	v6 =	vld [tilespmem:$0x100];
	_ =	sdelay $0x1  }
0x49: {  	v7 =	vtrunc.f32 v5  }
0x4a: {  	v7 =	vcvt.f32.s32 v7;
	_ =	sdelay $0x1  }
0x4b: {  	vm1 =	vgt.s32 v7, $0x0;
	v8 =	vadd.s32 $0x1, v6  }
0x4c: {  	v6 =	vadd.s32 $0x3, v6;
	v7 =	vnsel vm1, $0x0, v7  }
0x4d: {  	v7 =	vmin.u32 v7, $0x1FF  }
0x4e: {  	[tilespmem:$0xBA0] =	vst v5;
	v5 =	vor.u32 v0, v7  }
0x4f: {  	[tilespmem:$0xB20] =	vst v5  }
0x50: {  	v5 =	vld.idx.msk [tilespmem:v8+s5+$0x0], $0xffff  }
0x51: {  	v6 =	vld.idx.msk [tilespmem:v6+s5+$0x0], $0xffff;
	_ =	sdelay $0x3  }
0x52: {  	v7 =	vld [tilespmem:$0x150]  }
0x53: {  	v5 =	vmax.f32 v5, $0.0e+00;
	v6 =	vmax.f32 v6, $0.0e+00  }
0x54: {  	v5 =	vmin.f32 v5, $5.110000000e+02;
	v6 =	vmin.f32 v6, $5.110000000e+02  }
0x55: {  	v6 =	vsub.f32 v6, v5;
	_ =	sdelay $0x1  }
0x56: {  	v6 =	vmul.f32 v6, v7;
	_ =	sdelay $0x1  }
0x57: {  	v5 =	vadd.f32 v6, v5;
	v6 =	vld [tilespmem:$0x110];
	_ =	sdelay $0x1  }
0x58: {  	v7 =	vtrunc.f32 v5  }
0x59: {  	v7 =	vcvt.f32.s32 v7;
	_ =	sdelay $0x1  }
0x5a: {  	vm1 =	vgt.s32 v7, $0x0;
	v8 =	vadd.s32 $0x1, v6  }
0x5b: {  	v6 =	vadd.s32 $0x3, v6;
	v7 =	vnsel vm1, $0x0, v7  }
0x5c: {  	v7 =	vmin.u32 v7, $0x1FF  }
0x5d: {  	[tilespmem:$0xBB0] =	vst v5;
	v5 =	vor.u32 v0, v7  }
0x5e: {  	[tilespmem:$0xB30] =	vst v5  }
0x5f: {  	v5 =	vld.idx.msk [tilespmem:v8+s5+$0x0], $0xffff  }
0x60: {  	v6 =	vld.idx.msk [tilespmem:v6+s5+$0x0], $0xffff;
	_ =	sdelay $0x3  }
0x61: {  	v7 =	vld [tilespmem:$0x160]  }
0x62: {  	v5 =	vmax.f32 v5, $0.0e+00;
	v6 =	vmax.f32 v6, $0.0e+00  }
0x63: {  	v8 =	vld [tilespmem:$0xB00];
	v5 =	vmin.f32 v5, $5.110000000e+02;
	v6 =	vmin.f32 v6, $5.110000000e+02  }
0x64: {  	v6 =	vsub.f32 v6, v5;
	_ =	sdelay $0x1  }
0x65: {  	v6 =	vmul.f32 v6, v7;
	_ =	sdelay $0x1  }
0x66: {  	v5 =	vadd.f32 v6, v5;
	v6 =	vshll.u32 v8, $0x2  }
0x67: {  	v7 =	vand.u32 $0x7, v8;
	v6 =	vand.u32 $0xFFFFFFE0, v6  }
0x68: {  	v8 =	vtrunc.f32 v5;
	v6 =	vor.u32 v7, v6  }
0x69: {  	v7 =	vcvt.f32.s32 v8;
	v8 =	vperm.xlane v6, v1;
	_ =	sdelay $0x1  }
0x6a: {  	vm1 =	vgt.s32 v7, $0x0;
	v8 =	vadd.s32 v2, v8  }
0x6b: {  	v7 =	vnsel vm1, $0x0, v7  }
0x6c: {  	v6 =	vperm.xlane v6, v3;
	v7 =	vmin.u32 v7, $0x1FF  }
0x6d: {  	[tilespmem:$0xBC0] =	vst v5;
	v5 =	vor.u32 v0, v7  }
0x6e: {  	[tilespmem:$0xB40] =	vst v5;
	v5 =	vadd.s32 v2, v6  }
0x6f: {  	[tilespmem:s20], [sflag:$0x1] =	stream.indirect_vreg.gather [hbm4b:s1+s5], $0x80, v8, vm0, $0xb8;
	[tilespmem:$0x15F00] =	vst v63  }
0x70: {  	s28 =	simm.s32 $0x1400  }
0x71: {  	[tilespmem:s28], [sflag:$0x1] =	stream.indirect_vreg.gather [hbm4b:s8+s5], $0x80, v8, vm0, $0xb8;
	[tilespmem:$0x15F00] =	vst v63  }
0x72: {  	s25 =	simm.s32 $0x1C00  }
0x73: {  	[tilespmem:s25], [sflag:$0x1] =	stream.indirect_vreg.gather [hbm4b:s1+s5], $0x80, v5, vm0, $0xb8;
	[tilespmem:$0x15F00] =	vst v63  }
0x74: {  	s26 =	simm.s32 $0x2400  }
0x75: {  	[tilespmem:s26], [sflag:$0x1] =	stream.indirect_vreg.gather [hbm4b:s8+s5], $0x80, v5, vm0, $0xb8;
	[tilespmem:$0x15F00] =	vst v63  }
0x76: {  	v5 =	vld [tilespmem:$0xB10];
	_ =	sdelay $0x4  }
0x77: {  	v6 =	vshll.u32 v5, $0x2  }
0x78: {  	v5 =	vand.u32 $0x7, v5;
	v6 =	vand.u32 $0xFFFFFFE0, v6  }
0x79: {  	v5 =	vor.u32 v5, v6  }
0x7a: {  	v6 =	vperm.xlane v5, v1;
	_ =	sdelay $0x1  }
0x7b: {  	v6 =	vadd.s32 v2, v6;
	_ =	sdelay $0x1  }
0x7c: {  	v5 =	vperm.xlane v5, v3;
	_ =	sdelay $0x1  }
0x7d: {  	s28 =	simm.s32 $0x2C00;
	v5 =	vadd.s32 v2, v5  }
0x7e: {  	[tilespmem:s28], [sflag:$0x1] =	stream.indirect_vreg.gather [hbm4b:s1+s5], $0x80, v6, vm0, $0xb8;
	[tilespmem:$0x15F00] =	vst v63  }
0x7f: {  	s25 =	simm.s32 $0x3400  }
0x80: {  	[tilespmem:s25], [sflag:$0x1] =	stream.indirect_vreg.gather [hbm4b:s8+s5], $0x80, v6, vm0, $0xb8;
	[tilespmem:$0x15F00] =	vst v63  }
0x81: {  	s26 =	simm.s32 $0x3C00  }
0x82: {  	[tilespmem:s26], [sflag:$0x1] =	stream.indirect_vreg.gather [hbm4b:s1+s5], $0x80, v5, vm0, $0xb8;
	[tilespmem:$0x15F00] =	vst v63  }
0x83: {  	s28 =	simm.s32 $0x4400  }
0x84: {  	[tilespmem:s28], [sflag:$0x1] =	stream.indirect_vreg.gather [hbm4b:s8+s5], $0x80, v5, vm0, $0xb8;
	[tilespmem:$0x15F00] =	vst v63  }
0x85: {  	v5 =	vld.msk [tilespmem:$0xB20], $0xff;
	_ =	sdelay $0x4  }
0x86: {  	v6 =	vshll.u32 v5, $0x2  }
0x87: {  	v5 =	vand.u32 $0x7, v5;
	v6 =	vand.u32 $0xFFFFFFE0, v6  }
0x88: {  	v5 =	vor.u32 v5, v6  }
0x89: {  	v5 =	vperm.xlane v5, v1;
	_ =	sdelay $0x1  }
0x8a: {  	v5 =	vadd.s32 v2, v5;
	_ =	sdelay $0x3  }
0x8b: {  	s25 =	simm.s32 $0x4C00  }
0x8c: {  	[tilespmem:s25], [sflag:$0x1] =	stream.indirect_vreg.gather [hbm4b:s1+s5], $0x80, v5, vm0, $0xb8;
	[tilespmem:$0x15F00] =	vst v63  }
0x8d: {  	s26 =	simm.s32 $0x5400  }
0x8e: {  	[tilespmem:s26], [sflag:$0x1] =	stream.indirect_vreg.gather [hbm4b:s8+s5], $0x80, v5, vm0, $0xb8;
	[tilespmem:$0x15F00] =	vst v63  }
0x8f: {  	v5 =	vld [tilespmem:$0xB00];
	_ =	sdelay $0x4  }
0x90: {  	v6 =	vshll.u32 v5, $0x2  }
0x91: {  	v5 =	vand.u32 $0x7, v5;
	v6 =	vand.u32 $0xFFFFFFE0, v6  }
0x92: {  	v5 =	vor.u32 v5, v6  }
0x93: {  	v6 =	vperm.xlane v5, v1;
	_ =	sdelay $0x1  }
0x94: {  	v6 =	vadd.s32 v2, v6;
	_ =	sdelay $0x1  }
0x95: {  	v5 =	vperm.xlane v5, v3;
	_ =	sdelay $0x1  }
0x96: {  	s28 =	simm.s32 $0xAC00;
	v5 =	vadd.s32 v2, v5  }
0x97: {  	[tilespmem:s28], [sflag:$0x1] =	stream.indirect_vreg.gather [hbm4b:s2+s5], $0x80, v6, vm0, $0xb8;
	[tilespmem:$0x15F00] =	vst v63  }
0x98: {  	s25 =	simm.s32 $0xB400  }
0x99: {  	[tilespmem:s25], [sflag:$0x1] =	stream.indirect_vreg.gather [hbm4b:s9+s5], $0x80, v6, vm0, $0xb8;
	[tilespmem:$0x15F00] =	vst v63  }
0x9a: {  	s26 =	simm.s32 $0xBC00  }
0x9b: {  	[tilespmem:s26], [sflag:$0x1] =	stream.indirect_vreg.gather [hbm4b:s2+s5], $0x80, v5, vm0, $0xb8;
	[tilespmem:$0x15F00] =	vst v63  }
0x9c: {  	s28 =	simm.s32 $0xC400  }
0x9d: {  	[tilespmem:s28], [sflag:$0x1] =	stream.indirect_vreg.gather [hbm4b:s9+s5], $0x80, v5, vm0, $0xb8;
	[tilespmem:$0x15F00] =	vst v63  }
0x9e: {  	v5 =	vld [tilespmem:$0xB10];
	_ =	sdelay $0x4  }
0x9f: {  	v6 =	vshll.u32 v5, $0x2  }
0xa0: {  	v5 =	vand.u32 $0x7, v5;
	v6 =	vand.u32 $0xFFFFFFE0, v6  }
0xa1: {  	v5 =	vor.u32 v5, v6  }
0xa2: {  	v6 =	vperm.xlane v5, v1;
	_ =	sdelay $0x1  }
0xa3: {  	v6 =	vadd.s32 v2, v6;
	_ =	sdelay $0x1  }
0xa4: {  	v5 =	vperm.xlane v5, v3;
	_ =	sdelay $0x1  }
0xa5: {  	s25 =	simm.s32 $0xCC00;
	v5 =	vadd.s32 v2, v5  }
0xa6: {  	[tilespmem:s25], [sflag:$0x1] =	stream.indirect_vreg.gather [hbm4b:s2+s5], $0x80, v6, vm0, $0xb8;
	[tilespmem:$0x15F00] =	vst v63  }
0xa7: {  	s26 =	simm.s32 $0xD400  }
0xa8: {  	[tilespmem:s26], [sflag:$0x1] =	stream.indirect_vreg.gather [hbm4b:s9+s5], $0x80, v6, vm0, $0xb8;
	[tilespmem:$0x15F00] =	vst v63  }
0xa9: {  	s28 =	simm.s32 $0xDC00  }
0xaa: {  	[tilespmem:s28], [sflag:$0x1] =	stream.indirect_vreg.gather [hbm4b:s2+s5], $0x80, v5, vm0, $0xb8;
	[tilespmem:$0x15F00] =	vst v63  }
0xab: {  	s25 =	simm.s32 $0xE400  }
0xac: {  	[tilespmem:s25], [sflag:$0x1] =	stream.indirect_vreg.gather [hbm4b:s9+s5], $0x80, v5, vm0, $0xb8;
	[tilespmem:$0x15F00] =	vst v63  }
0xad: {  	v5 =	vld.msk [tilespmem:$0xB20], $0xff;
	_ =	sdelay $0x4  }
0xae: {  	v6 =	vshll.u32 v5, $0x2  }
0xaf: {  	v5 =	vand.u32 $0x7, v5;
	v6 =	vand.u32 $0xFFFFFFE0, v6  }
0xb0: {  	v5 =	vor.u32 v5, v6  }
0xb1: {  	v5 =	vperm.xlane v5, v1;
	_ =	sdelay $0x1  }
0xb2: {  	v5 =	vadd.s32 v2, v5;
	_ =	sdelay $0x3  }
0xb3: {  	s26 =	simm.s32 $0xEC00  }
0xb4: {  	[tilespmem:s26], [sflag:$0x1] =	stream.indirect_vreg.gather [hbm4b:s2+s5], $0x80, v5, vm0, $0xb8;
	[tilespmem:$0x15F00] =	vst v63  }
0xb5: {  	s28 =	simm.s32 $0xF400  }
0xb6: {  	[tilespmem:s28], [sflag:$0x1] =	stream.indirect_vreg.gather [hbm4b:s9+s5], $0x80, v5, vm0, $0xb8;
	[tilespmem:$0x15F00] =	vst v63  }
0xb7: {  	v5 =	vld [tilespmem:$0xB28];
	_ =	sdelay $0x4  }
0xb8: {  	v6 =	vshll.u32 v5, $0x2  }
0xb9: {  	v5 =	vand.u32 $0x7, v5;
	v6 =	vand.u32 $0xFFFFFFE0, v6  }
0xba: {  	v5 =	vor.u32 v5, v6  }
0xbb: {  	v6 =	vperm.xlane v5, v1;
	_ =	sdelay $0x1  }
0xbc: {  	v6 =	vadd.s32 v2, v6;
	_ =	sdelay $0x1  }
0xbd: {  	v5 =	vperm.xlane v5, v3;
	_ =	sdelay $0x1  }
0xbe: {  	s25 =	simm.s32 $0x5C00;
	v5 =	vadd.s32 v2, v5  }
0xbf: {  	[tilespmem:s25], [sflag:$0x2] =	stream.indirect_vreg.gather [hbm4b:s1+s5], $0x80, v6, vm0, $0xb8;
	[tilespmem:$0x15F00] =	vst v63  }
0xc0: {  	s26 =	simm.s32 $0x6400  }
0xc1: {  	[tilespmem:s26], [sflag:$0x2] =	stream.indirect_vreg.gather [hbm4b:s8+s5], $0x80, v6, vm0, $0xb8;
	[tilespmem:$0x15F00] =	vst v63  }
0xc2: {  	s28 =	simm.s32 $0x6C00  }
0xc3: {  	[tilespmem:s28], [sflag:$0x2] =	stream.indirect_vreg.gather [hbm4b:s1+s5], $0x80, v5, vm0, $0xb8;
	[tilespmem:$0x15F00] =	vst v63  }
0xc4: {  	s25 =	simm.s32 $0x7400  }
0xc5: {  	[tilespmem:s25], [sflag:$0x2] =	stream.indirect_vreg.gather [hbm4b:s8+s5], $0x80, v5, vm0, $0xb8;
	[tilespmem:$0x15F00] =	vst v63  }
0xc6: {  	v5 =	vld [tilespmem:$0xB38];
	_ =	sdelay $0x4  }
0xc7: {  	v6 =	vshll.u32 v5, $0x2  }
0xc8: {  	v5 =	vand.u32 $0x7, v5;
	v6 =	vand.u32 $0xFFFFFFE0, v6  }
0xc9: {  	v5 =	vor.u32 v5, v6  }
0xca: {  	v6 =	vperm.xlane v5, v1;
	_ =	sdelay $0x1  }
0xcb: {  	v6 =	vadd.s32 v2, v6;
	_ =	sdelay $0x1  }
0xcc: {  	v5 =	vperm.xlane v5, v3;
	_ =	sdelay $0x1  }
0xcd: {  	s26 =	simm.s32 $0x7C00;
	v5 =	vadd.s32 v2, v5  }
0xce: {  	[tilespmem:s26], [sflag:$0x2] =	stream.indirect_vreg.gather [hbm4b:s1+s5], $0x80, v6, vm0, $0xb8;
	[tilespmem:$0x15F00] =	vst v63  }
0xcf: {  	s28 =	simm.s32 $0x8400  }
0xd0: {  	[tilespmem:s28], [sflag:$0x2] =	stream.indirect_vreg.gather [hbm4b:s8+s5], $0x80, v6, vm0, $0xb8;
	[tilespmem:$0x15F00] =	vst v63  }
0xd1: {  	s25 =	simm.s32 $0x8C00  }
0xd2: {  	[tilespmem:s25], [sflag:$0x2] =	stream.indirect_vreg.gather [hbm4b:s1+s5], $0x80, v5, vm0, $0xb8;
	[tilespmem:$0x15F00] =	vst v63  }
0xd3: {  	s26 =	simm.s32 $0x9400  }
0xd4: {  	[tilespmem:s26], [sflag:$0x2] =	stream.indirect_vreg.gather [hbm4b:s8+s5], $0x80, v5, vm0, $0xb8;
	[tilespmem:$0x15F00] =	vst v63  }
0xd5: {  	v5 =	vld.msk [tilespmem:$0xB48], $0xff;
	_ =	sdelay $0x4  }
0xd6: {  	v6 =	vshll.u32 v5, $0x2  }
0xd7: {  	v5 =	vand.u32 $0x7, v5;
	v6 =	vand.u32 $0xFFFFFFE0, v6  }
0xd8: {  	v5 =	vor.u32 v5, v6  }
0xd9: {  	v5 =	vperm.xlane v5, v1;
	_ =	sdelay $0x1  }
0xda: {  	v5 =	vadd.s32 v2, v5;
	_ =	sdelay $0x3  }
0xdb: {  	s28 =	simm.s32 $0x9C00  }
0xdc: {  	[tilespmem:s28], [sflag:$0x2] =	stream.indirect_vreg.gather [hbm4b:s1+s5], $0x80, v5, vm0, $0xb8;
	[tilespmem:$0x15F00] =	vst v63  }
0xdd: {  	s25 =	simm.s32 $0xA400  }
0xde: {  	[tilespmem:s25], [sflag:$0x2] =	stream.indirect_vreg.gather [hbm4b:s8+s5], $0x80, v5, vm0, $0xb8;
	[tilespmem:$0x15F00] =	vst v63  }
0xdf: {  	v5 =	vld [tilespmem:$0xB28];
	_ =	sdelay $0x4  }
0xe0: {  	v6 =	vshll.u32 v5, $0x2  }
0xe1: {  	v5 =	vand.u32 $0x7, v5;
	v6 =	vand.u32 $0xFFFFFFE0, v6  }
0xe2: {  	v5 =	vor.u32 v5, v6  }
0xe3: {  	v6 =	vperm.xlane v5, v1;
	_ =	sdelay $0x1  }
0xe4: {  	v6 =	vadd.s32 v2, v6;
	_ =	sdelay $0x1  }
0xe5: {  	v5 =	vperm.xlane v5, v3;
	_ =	sdelay $0x1  }
0xe6: {  	s26 =	simm.s32 $0xFC00;
	v5 =	vadd.s32 v2, v5  }
0xe7: {  	[tilespmem:s26], [sflag:$0x2] =	stream.indirect_vreg.gather [hbm4b:s2+s5], $0x80, v6, vm0, $0xb8;
	[tilespmem:$0x15F00] =	vst v63  }
0xe8: {  	s28 =	simm.s32 $0x10400  }
0xe9: {  	[tilespmem:s28], [sflag:$0x2] =	stream.indirect_vreg.gather [hbm4b:s9+s5], $0x80, v6, vm0, $0xb8;
	[tilespmem:$0x15F00] =	vst v63  }
0xea: {  	s25 =	simm.s32 $0x10C00  }
0xeb: {  	[tilespmem:s25], [sflag:$0x2] =	stream.indirect_vreg.gather [hbm4b:s2+s5], $0x80, v5, vm0, $0xb8;
	[tilespmem:$0x15F00] =	vst v63  }
0xec: {  	s26 =	simm.s32 $0x11400  }
0xed: {  	[tilespmem:s26], [sflag:$0x2] =	stream.indirect_vreg.gather [hbm4b:s9+s5], $0x80, v5, vm0, $0xb8;
	[tilespmem:$0x15F00] =	vst v63  }
0xee: {  	v5 =	vld [tilespmem:$0xB38];
	_ =	sdelay $0x4  }
0xef: {  	v6 =	vshll.u32 v5, $0x2  }
0xf0: {  	v5 =	vand.u32 $0x7, v5;
	v6 =	vand.u32 $0xFFFFFFE0, v6  }
0xf1: {  	v5 =	vor.u32 v5, v6  }
0xf2: {  	v6 =	vperm.xlane v5, v1;
	_ =	sdelay $0x1  }
0xf3: {  	v6 =	vadd.s32 v2, v6;
	_ =	sdelay $0x1  }
0xf4: {  	v5 =	vperm.xlane v5, v3;
	_ =	sdelay $0x1  }
0xf5: {  	s28 =	simm.s32 $0x11C00;
	v5 =	vadd.s32 v2, v5  }
0xf6: {  	[tilespmem:s28], [sflag:$0x2] =	stream.indirect_vreg.gather [hbm4b:s2+s5], $0x80, v6, vm0, $0xb8;
	[tilespmem:$0x15F00] =	vst v63  }
0xf7: {  	s25 =	simm.s32 $0x12400  }
0xf8: {  	[tilespmem:s25], [sflag:$0x2] =	stream.indirect_vreg.gather [hbm4b:s9+s5], $0x80, v6, vm0, $0xb8;
	[tilespmem:$0x15F00] =	vst v63  }
0xf9: {  	s26 =	simm.s32 $0x12C00  }
0xfa: {  	[tilespmem:s26], [sflag:$0x2] =	stream.indirect_vreg.gather [hbm4b:s2+s5], $0x80, v5, vm0, $0xb8;
	[tilespmem:$0x15F00] =	vst v63  }
0xfb: {  	s28 =	simm.s32 $0x13400  }
0xfc: {  	[tilespmem:s28], [sflag:$0x2] =	stream.indirect_vreg.gather [hbm4b:s9+s5], $0x80, v5, vm0, $0xb8;
	[tilespmem:$0x15F00] =	vst v63  }
0xfd: {  	v5 =	vld.msk [tilespmem:$0xB48], $0xff;
	_ =	sdelay $0x4  }
0xfe: {  	v6 =	vshll.u32 v5, $0x2  }
0xff: {  	v5 =	vand.u32 $0x7, v5;
	v6 =	vand.u32 $0xFFFFFFE0, v6  }
0x100: {  	v5 =	vor.u32 v5, v6  }
0x101: {  	v5 =	vperm.xlane v5, v1;
	_ =	sdelay $0x1  }
0x102: {  	v5 =	vadd.s32 v2, v5;
	_ =	sdelay $0x4  }
0x103: {  	[tilespmem:s29], [sflag:$0x2] =	stream.indirect_vreg.gather [hbm4b:s2+s5], $0x80, v5, vm0, $0xb8;
	[tilespmem:$0x15F00] =	vst v63  }
0x104: {  	_ = 	snop  }
0x105: {  	[tilespmem:s30], [sflag:$0x2] =	stream.indirect_vreg.gather [hbm4b:s9+s5], $0x80, v5, vm0, $0xb8;
	[tilespmem:$0x15F00] =	vst v63  }
0x106: {  	v5 =	vld [tilespmem:$0xC0];
	_ =	sdelay $0x4  }
0x107: {  	v6 =	vadd.s32 $0x2, v5;
	_ =	sdelay $0x3  }
0x108: {  	v5 =	vld.idx.msk [tilespmem:v5+s5+$0x0], $0xffff  }
0x109: {  	v6 =	vld.idx.msk [tilespmem:v6+s5+$0x0], $0xffff;
	_ =	sdelay $0x1  }
0x10a: {  	v7 =	vld [tilespmem:$0x80]  }
0x10b: {  	v8 =	vld [tilespmem:$0x90];
	_ =	sdelay $0x1  }
0x10c: {  	v5 =	vmax.f32 v5, $0.0e+00;
	v6 =	vmax.f32 v6, $0.0e+00  }
0x10d: {  	v5 =	vmin.f32 v5, $5.110000000e+02;
	v6 =	vmin.f32 v6, $5.110000000e+02  }
0x10e: {  	v6 =	vsub.f32 v6, v5  }
0x10f: {  	[tilespmem:$0xBD0] =	vst v5  }
0x110: {  	[tilespmem:$0xBE0] =	vst v6  }
0x111: {  	v5 =	vld.idx.msk [tilespmem:v7+s5+$0x0], $0xffff  }
0x112: {  	v6 =	vld.idx.msk [tilespmem:v8+s5+$0x0], $0xffff;
	_ =	sdelay $0x3  }
0x113: {  	(erf) = vrcp.f32 v5  }
0x114: {  	v7 =	vld [tilespmem:$0xA0];
	(erf) = vrcp.f32 v6  }
0x115: {  	v8 =	vld [tilespmem:$0xB0];
	_ =	sdelay $0x6  }
0x116: {  	v6 =	vld.idx.msk [tilespmem:v7+s5+$0x0], $0xffff;
	v5 =	vpop (erf)  }
0x117: {  	v7 =	vld.idx.msk [tilespmem:v8+s5+$0x0], $0xffff;
	v8 =	vpop (erf)  }
0x118: {  	_ =	swait.ge [sflag:s19], $0x5000  }
0x119: {  	[sflag:s19] =	ssyncset.done $0x0  }
0x11a: {  	[sflag:s19] =	ssyncadd.s32 $0xFFFFB000  }
0x11b: {  	_ =	swait.ge [sflag:s19], $0x5000  }
0x11c: {  	s24 =	simm.s32 $0x490;
	[sflag:s19] =	ssyncset.done $0x0  }
0x11d: {  	s25 =	simm.s32 $0x15560;
	s26 =	simm.s32 $0x0;
	[sflag:s19] =	ssyncadd.s32 $0xFFFFB000  }
.LBB2_2:
0x11e: {  	v9 =	vld [tilespmem:s24+$0xFFFFFCE0];
	_ =	sdelay $0x4  }
0x11f: {  	v10 =	vadd.s32 $0x10, v9;
	_ =	sdelay $0x3  }
0x120: {  	v11 =	vld [tilespmem:s24+$0x320]  }
0x121: {  	v10 =	vld.idx.msk [tilespmem:v10+s31+$0x0], $0xffff;
	_ =	sdelay $0x1  }
0x122: {  	v9 =	vld.idx.msk [tilespmem:v9+s31+$0x0], $0xffff;
	_ =	sdelay $0x2  }
0x123: {  	v10 =	vmul.f32 v10, v11;
	_ =	sdelay $0x1  }
0x124: {  	v9 =	vadd.f32 v10, v9;
	_ =	sdelay $0x1  }
0x125: {  	v10 =	vld [tilespmem:s24+$0x0];
	v11 =	vtrunc.f32 v9  }
0x126: {  	v11 =	vcvt.f32.s32 v11;
	_ =	sdelay $0x1  }
0x127: {  	vm1 =	vgt.s32 v11, $0x0  }
0x128: {  	v11 =	vnsel vm1, $0x0, v11  }
0x129: {  	v12 =	vshll.u32 v10, $0x7;
	v11 =	vmin.u32 v11, $0x1FF  }
0x12a: {  	v14 =	vshll.u32 v10, $0x9;
	v12 =	vand.u32 $0x380, v12;
	v13 =	vand.u32 $0x7F, v11  }
0x12b: {  	v14 =	vand.u32 $0xFFFFF000, v14;
	v11 =	vshll.u32 v11, $0x3;
	v15 =	vor.u32 v12, v13  }
0x12c: {  	v11 =	vand.u32 $0xC00, v11;
	v12 =	vor.u32 v12, v14;
	v15 =	vor.u32 v14, v15  }
0x12d: {  	v60 =	vor.u32 v11, v15;
	v11 =	vor.u32 v11, v12  }
0x12e: {  	v11 =	vor.u32 v13, v11  }
0x12f: {  	v11 =	vadd.s32 $0xA000, v11;
	_ =	sdelay $0x3  }
0x130: {  	v61 =	vld.idx.msk [tilespmem:v60+s20+$0x0], $0xffff  }
0x131: {  	v11 =	vld.idx.msk [tilespmem:v11+s20+$0x0], $0xffff;
	_ =	sdelay $0x1  }
0x132: {  	v9 =	vsub.f32 v9, v6  }
0x133: {  	v10 =	vld.idx.msk [tilespmem:v10+s31+$0x0], $0xffff  }
0x134: {  	v9 =	vmul.f32 v9, v61  }
0x135: {  	v11 =	vmul.f32 $-1.442695020e+00, v11  }
0x136: {  	v9 =	vmul.f32 v9, v5  }
0x137: {  	(erf) = vpow2.f32 v11  }
0x138: {  	v10 =	vsub.f32 v10, v7;
	v9 =	vsub.f32 $0.0e+00, v9;
	_ =	sdelay $0x1  }
0x139: {  	v10 =	vmul.f32 v61, v10;
	v11 =	vand.u32 $0x7FFFFFFF, v9  }
0x13a: {  	vm1 =	vlt.f32 v61, $8.000000000e+01;
	vm2 =	vlt.f32 v11, $4.000000000e+01  }
0x13b: {  	vm3 =	vgt.f32 v61, $5.000000000e-01;
	v10 =	vmul.f32 v10, v8;
	vm1 =	vmand vm1, vm2  }
0x13c: {  	vm1 =	vmand vm1, vm3  }
0x13d: {  	v10 =	vsub.f32 $0.0e+00, v10;
	v11 =	vsel vm1, $0x3F800000, v4  }
0x13e: {  	v9 =	vmul.f32 v11, v9  }
0x13f: {  	p0 =	sne.s32 s26, $0x180;
	[tilespmem:s25+$0x0] =	vst v4;
	v10 =	vmul.f32 v11, v10;
	v62 =	vpop (erf)  }
.Ltmp0:
0x140: {  	v12 =	vmul.f32 v11, v61;
	[tilespmem:s25+$0xFFFFF9C0] =	vst v9;
	v63 =	vmax.f32 v62, $0.0e+00;
	(pc) =	sbr.rel @p0 .LBB2_2-.Ltmp0, $4  }
0x141: {  	[tilespmem:s25+$0xFFFFFCE0] =	vst v10;
	v10 =	vmul.f32 $1.000000000e+01, v11;
	v9 =	vmin.f32 v63, $1.000000000e+00  }
0x142: {  	s28 =	sand.u32 $0x1F0, s26;
	[tilespmem:s25+$0xFFFFF6A0] =	vst v12;
	v9 =	vmul.f32 v11, v9  }
0x143: {  	[tilespmem:s28+$0x15880] =	vst v10  }
0x144: {  	s26 =	sadd.s32 $0x10, s26;
	s24 =	sadd.s32 $0x10, s24;
	[tilespmem:s25+$0x640] =	vst v9;
	s25 =	sadd.s32 $0x10, s25  }
0x145: {  	_ =	swait.ge [sflag:s3], $0x5000  }
0x146: {  	[sflag:s3] =	ssyncset.done $0x0  }
0x147: {  	[sflag:s3] =	ssyncadd.s32 $0xFFFFB000  }
0x148: {  	_ =	swait.ge [sflag:s3], $0x5000  }
0x149: {  	s24 =	simm.s32 $0x190;
	[sflag:s3] =	ssyncset.done $0x0  }
0x14a: {  	s25 =	simm.s32 $0x620;
	s26 =	simm.s32 $0x156F0;
	[sflag:s3] =	ssyncadd.s32 $0xFFFFB000  }
.LBB2_4:
0x14b: {  	v9 =	vld [tilespmem:s25+$0xFFFFFCE0];
	_ =	sdelay $0x4  }
0x14c: {  	v10 =	vadd.s32 $0x10, v9;
	_ =	sdelay $0x3  }
0x14d: {  	v11 =	vld [tilespmem:s25+$0x320]  }
0x14e: {  	v10 =	vld.idx.msk [tilespmem:v10+s31+$0x0], $0xffff;
	_ =	sdelay $0x1  }
0x14f: {  	v9 =	vld.idx.msk [tilespmem:v9+s31+$0x0], $0xffff;
	_ =	sdelay $0x2  }
0x150: {  	v10 =	vmul.f32 v10, v11;
	_ =	sdelay $0x1  }
0x151: {  	v9 =	vadd.f32 v10, v9;
	_ =	sdelay $0x1  }
0x152: {  	v10 =	vld [tilespmem:s25+$0x0];
	v11 =	vtrunc.f32 v9  }
0x153: {  	v11 =	vcvt.f32.s32 v11;
	_ =	sdelay $0x1  }
0x154: {  	vm1 =	vgt.s32 v11, $0x0  }
0x155: {  	v11 =	vnsel vm1, $0x0, v11  }
0x156: {  	v12 =	vshll.u32 v10, $0x7;
	v11 =	vmin.u32 v11, $0x1FF  }
0x157: {  	v14 =	vshll.u32 v10, $0x9;
	v12 =	vand.u32 $0x380, v12;
	v13 =	vand.u32 $0x7F, v11  }
0x158: {  	v14 =	vand.u32 $0xFFFFF000, v14;
	v11 =	vshll.u32 v11, $0x3;
	v15 =	vor.u32 v12, v13  }
0x159: {  	v11 =	vand.u32 $0xC00, v11;
	v12 =	vor.u32 v12, v14;
	v15 =	vor.u32 v14, v15  }
0x15a: {  	v60 =	vor.u32 v11, v15;
	v11 =	vor.u32 v11, v12  }
0x15b: {  	v11 =	vor.u32 v13, v11  }
0x15c: {  	v11 =	vadd.s32 $0xA000, v11;
	_ =	sdelay $0x3  }
0x15d: {  	v61 =	vld.idx.msk [tilespmem:v60+s20+$0x0], $0xffff  }
0x15e: {  	v11 =	vld.idx.msk [tilespmem:v11+s20+$0x0], $0xffff;
	_ =	sdelay $0x1  }
0x15f: {  	v9 =	vsub.f32 v9, v6  }
0x160: {  	v10 =	vld.idx.msk [tilespmem:v10+s31+$0x0], $0xffff  }
0x161: {  	v9 =	vmul.f32 v9, v61  }
0x162: {  	v11 =	vmul.f32 $-1.442695020e+00, v11  }
0x163: {  	v9 =	vmul.f32 v9, v5  }
0x164: {  	(erf) = vpow2.f32 v11  }
0x165: {  	v10 =	vsub.f32 v10, v7;
	v9 =	vsub.f32 $0.0e+00, v9;
	_ =	sdelay $0x1  }
0x166: {  	v10 =	vmul.f32 v61, v10;
	v11 =	vand.u32 $0x7FFFFFFF, v9  }
0x167: {  	vm1 =	vlt.f32 v61, $8.000000000e+01;
	vm2 =	vlt.f32 v11, $4.000000000e+01  }
0x168: {  	vm3 =	vgt.f32 v61, $5.000000000e-01;
	v10 =	vmul.f32 v10, v8;
	vm1 =	vmand vm1, vm2  }
0x169: {  	vm1 =	vmand vm1, vm3  }
0x16a: {  	v10 =	vsub.f32 $0.0e+00, v10;
	v11 =	vsel vm1, $0x3F800000, v4  }
0x16b: {  	v9 =	vmul.f32 v11, v9  }
0x16c: {  	p0 =	sne.s32 s24, $0x310;
	[tilespmem:s26+$0x0] =	vst v4;
	v10 =	vmul.f32 v11, v10;
	v62 =	vpop (erf)  }
.Ltmp1:
0x16d: {  	v12 =	vmul.f32 v11, v61;
	[tilespmem:s26+$0xFFFFF9C0] =	vst v9;
	v63 =	vmax.f32 v62, $0.0e+00;
	(pc) =	sbr.rel @p0 .LBB2_4-.Ltmp1, $4  }
0x16e: {  	[tilespmem:s26+$0xFFFFFCE0] =	vst v10;
	v10 =	vmul.f32 $1.000000000e+01, v11;
	v9 =	vmin.f32 v63, $1.000000000e+00  }
0x16f: {  	s28 =	sand.u32 $0x3F0, s24;
	[tilespmem:s26+$0xFFFFF6A0] =	vst v12;
	v9 =	vmul.f32 v11, v9  }
0x170: {  	[tilespmem:s28+$0x15880] =	vst v10  }
0x171: {  	s24 =	sadd.s32 $0x10, s24;
	s25 =	sadd.s32 $0x10, s25;
	[tilespmem:s26+$0x640] =	vst v9;
	s26 =	sadd.s32 $0x10, s26  }
0x172: {  	[hbm4b:s10+s5] =	stream.linear.scatter [tilespmem:s0], [sflag:$0x2], $0x320, $0x38;
	[tilespmem:$0x15F00] =	vst v63  }
0x173: {  	_ = 	snop  }
0x174: {  	[hbm4b:s11+s5] =	stream.linear.scatter [tilespmem:s4], [sflag:$0x2], $0x320, $0x38;
	[tilespmem:$0x15F00] =	vst v63  }
0x175: {  	_ = 	snop  }
0x176: {  	[hbm4b:s12+s5] =	stream.linear.scatter [tilespmem:s17], [sflag:$0x2], $0x320, $0x38;
	[tilespmem:$0x15F00] =	vst v63  }
0x177: {  	_ = 	snop  }
0x178: {  	[hbm4b:s13+s5] =	stream.linear.scatter [tilespmem:s18], [sflag:$0x2], $0x320, $0x38;
	[tilespmem:$0x15F00] =	vst v63  }
0x179: {  	_ = 	snop  }
0x17a: {  	[hbm4b:s14+s5] =	stream.linear.scatter [tilespmem:s21], [sflag:$0x2], $0x320, $0x38;
	[tilespmem:$0x15F00] =	vst v63  }
0x17b: {  	_ = 	snop  }
0x17c: {  	[hbm4b:s15+s5] =	stream.linear.scatter [tilespmem:s22], [sflag:$0x2], $0x320, $0x38;
	[tilespmem:$0x15F00] =	vst v63  }
0x17d: {  	_ =	swait.ge [sflag:s3], $0x320  }
0x17e: {  	[sflag:s3] =	ssyncset.done $0x0  }
0x17f: {  	[sflag:s3] =	ssyncadd.s32 $0xFFFFFCE0  }
0x180: {  	_ =	swait.ge [sflag:s3], $0x320  }
0x181: {  	[sflag:s3] =	ssyncset.done $0x0  }
0x182: {  	[sflag:s3] =	ssyncadd.s32 $0xFFFFFCE0  }
0x183: {  	_ =	swait.ge [sflag:s3], $0x320  }
0x184: {  	[sflag:s3] =	ssyncset.done $0x0  }
0x185: {  	[sflag:s3] =	ssyncadd.s32 $0xFFFFFCE0  }
0x186: {  	_ =	swait.ge [sflag:s3], $0x320  }
0x187: {  	[sflag:s3] =	ssyncset.done $0x0  }
0x188: {  	s23 =	sadd.s32 $0x1, s23;
	[sflag:s3] =	ssyncadd.s32 $0xFFFFFCE0  }
0x189: {  	p0 =	sne.s32 s23, s16;
	_ =	swait.ge [sflag:s3], $0x320  }
.Ltmp2:
0x18a: {  	[sflag:s3] =	ssyncset.done $0x0;
	(pc) =	sbr.rel @p0 .LBB2_1-.Ltmp2, $4  }
0x18b: {  	[sflag:s3] =	ssyncadd.s32 $0xFFFFFCE0  }
0x18c: {  	_ =	swait.ge [sflag:s3], $0x320  }
0x18d: {  	[sflag:s3] =	ssyncset.done $0x0  }
0x18e: {  	[sflag:s3] =	ssyncadd.s32 $0xFFFFFCE0  }
0x18f: {  	_ =	sfence.sel $0x180000  }
0x190: {  	[bflag:$0x0] =	sbarrier.arrive $0xFFFF  }
0x191: {  	_ =	strace $0x90000047  }
0x192: {  	s0 =	stileid.u32;
	[bflag:$0x2] =	sbarrier.arrive $0xFFFF  }
0x193: {  	p0 =	sne.s32 s0, $0x0;
	s0 =	rddreg [dreg:$0x5]  }
0x194: {  	s0 =	sadd.s32 @!p0 $0x100000, s0  }
0x195: {  	[sflag:s0] =	ssyncadd.tile.s32 @!p0 $0x1;
	_ =	shalt  }
.Lfunc_end2:
_tile_overlayer_lowered:
.L_overlay_start_2:
0x196: {  	(tag) =	ssettag $0x2  }
0x197: {  	s0 =	rddreg [dreg:$0x0];
	s2 =	stileid.u32  }
0x198: {  	s1 =	rddreg [dreg:$0x1];
	p0 =	sne.s32 s2, $0x0  }
0x199: {  	s3 =	rddreg [dreg:$0x2];
	[bflag:$0x3] =	sbarrier.arrive $0xFFFF;
	s2 =	simm.s32 @!p0 $0x1C03  }
0x19a: {  	[timem:s3], [sflag:s2] =	dma.local @!p0 [hbm:s0], s1  }
0x19b: {  	s0 =	simm.s32 @!p0 $0x3  }
0x19c: {  	_ =	swait.ge @!p0 [sflag:s0], s1  }
0x19d: {  	s1 =	ssub.s32 @!p0 $0x0, s1;
	[sflag:s0] =	ssyncset.done @!p0 $0x0  }
0x19e: {  	[sflag:s0] =	ssyncadd.s32 @!p0 s1  }
0x19f: {  	[bflag:$0x3] =	sbarrier.arrive $0xFFFF  }
0x1a0: {  	_ =	shalt  }

</sc_bundles>
